<compile_context>
chip_gen: v7x
topology: tpu7x:2x2x1
jax: 0.10.2.dev20260603
libtpu: 0.0.44.dev20260713+nightly
codegen_flags: <defaults>
</compile_context>

<pallas_src>
import functools

import jax
import jax.numpy as jnp
import numpy as np
from jax import lax
from jax.experimental import pallas as pl
from jax.experimental.pallas import tpu as pltpu
from jax.experimental.pallas import tpu_sc as plsc

_B = 8
_N = 4096
_C = 64
_M = 1024
_S = 32
_R2 = np.float32(0.2 * 0.2)
_D = 80
_NW = 32
_MPW = (_B * _M) // _NW
_ROWS = _B * _M * _S
_RPW = _ROWS // _NW
_CH = 128
_NCH = _RPW // _CH


def _fps_body(xs_ref, ys_ref, zs_ref, nx_ref, ny_ref, nz_ref, dists_ref):
    B, N = xs_ref.shape
    M = nx_ref.shape[1]
    colN = lax.broadcasted_iota(jnp.int32, (B, N), 1)
    colM = lax.broadcasted_iota(jnp.int32, (B, M), 1)
    xs = xs_ref[...]
    ys = ys_ref[...]
    zs = zs_ref[...]

    dists_ref[...] = jnp.full((B, N), 1e10, dtype=jnp.float32)

    def body(i, far):
        sel = colN == far
        cx = jnp.sum(jnp.where(sel, xs, 0.0), axis=1, keepdims=True)
        cy = jnp.sum(jnp.where(sel, ys, 0.0), axis=1, keepdims=True)
        cz = jnp.sum(jnp.where(sel, zs, 0.0), axis=1, keepdims=True)
        outm = colM == i
        nx_ref[...] = jnp.where(outm, cx, nx_ref[...])
        ny_ref[...] = jnp.where(outm, cy, ny_ref[...])
        nz_ref[...] = jnp.where(outm, cz, nz_ref[...])
        dx = xs - cx
        dy = ys - cy
        dz = zs - cz
        d = dx * dx + dy * dy + dz * dz
        dists = jnp.minimum(dists_ref[...], d)
        dists_ref[...] = dists
        mx = jnp.max(dists, axis=1, keepdims=True)
        far = jnp.min(jnp.where(dists == mx, colN, N), axis=1, keepdims=True)
        return far

    far0 = jnp.zeros((B, 1), dtype=jnp.int32)
    lax.fori_loop(0, M, body, far0)


def _fps(xs, ys, zs):
    B = xs.shape[0]
    shp = jax.ShapeDtypeStruct((B, _M), jnp.float32)
    return pl.pallas_call(
        _fps_body,
        out_shape=[shp, shp, shp],
        scratch_shapes=[pltpu.VMEM((B, 4096), jnp.float32)],
    )(xs, ys, zs)


def _rnd16(v):
    u = plsc.bitcast(v, jnp.uint32)
    r = (u + jnp.uint32(0x7FFF) + ((u >> jnp.uint32(16)) & jnp.uint32(1))) & jnp.uint32(0xFFFF0000)
    return plsc.bitcast(r, jnp.float32)


def _ballq_body(xs_hbm, ys_hbm, zs_hbm,
                nx_hbm, ny_hbm, nz_hbm, out_hbm,
                x_v, y_v, z_v, b2_v, nx_v, ny_v, nz_v, o_v):
    cid = lax.axis_index("c")
    sid = lax.axis_index("s")
    wid = sid * 2 + cid
    b = wid // 4
    mseg = (wid % 4) * _MPW

    gm = b * _M + mseg
    pltpu.sync_copy(xs_hbm.at[pl.ds(b * _N, _N)], x_v)
    pltpu.sync_copy(ys_hbm.at[pl.ds(b * _N, _N)], y_v)
    pltpu.sync_copy(zs_hbm.at[pl.ds(b * _N, _N)], z_v)
    pltpu.sync_copy(nx_hbm.at[pl.ds(gm, _MPW)], nx_v.at[pl.ds(0, _MPW)])
    pltpu.sync_copy(ny_hbm.at[pl.ds(gm, _MPW)], ny_v.at[pl.ds(0, _MPW)])
    pltpu.sync_copy(nz_hbm.at[pl.ds(gm, _MPW)], nz_v.at[pl.ds(0, _MPW)])

    lanes = lax.iota(jnp.int32, 16)
    nbase = b * _N

    def b2fill(j, _):
        n = j * 16
        xv = x_v[pl.ds(n, 16)]
        yv = y_v[pl.ds(n, 16)]
        zv = z_v[pl.ds(n, 16)]
        b2_v[pl.ds(n, 16)] = xv * xv + yv * yv + zv * zv
        return 0
    lax.fori_loop(0, _N // 16, b2fill, 0)

    def bround(j, _):
        n = j * 16
        x_v[pl.ds(n, 16)] = _rnd16(x_v[pl.ds(n, 16)])
        y_v[pl.ds(n, 16)] = _rnd16(y_v[pl.ds(n, 16)])
        z_v[pl.ds(n, 16)] = _rnd16(z_v[pl.ds(n, 16)])
        return 0
    lax.fori_loop(0, _N // 16, bround, 0)

    def per_m(m, _):
        cxv = nx_v[pl.ds(m, 16)]
        cyv = ny_v[pl.ds(m, 16)]
        czv = nz_v[pl.ds(m, 16)]
        cx = cxv[0]
        cy = cyv[0]
        cz = czv[0]
        cxb = _rnd16(cxv)[0]
        cyb = _rnd16(cyv)[0]
        czb = _rnd16(czv)[0]
        a2 = cx * cx + cy * cy + cz * cz

        def step(j, cnt):
            n = j * 16
            xv = x_v[pl.ds(n, 16)]
            yv = y_v[pl.ds(n, 16)]
            zv = z_v[pl.ds(n, 16)]
            b2v = b2_v[pl.ds(n, 16)]
            ab = xv * cxb + yv * cyb + zv * czb
            d2 = a2 + b2v - 2.0 * ab
            msk = d2 < _R2
            vals = (nbase + n) + lanes
            plsc.store_compressed(o_v.at[pl.ds(m * _S + cnt, 16)], vals,
                                  mask=msk)
            return cnt + plsc.all_reduce_population_count(msk)[0]

        def outer(k, cnt):
            return lax.cond(
                cnt < _S,
                lambda c: lax.fori_loop(k * 16, (k + 1) * 16, step, c),
                lambda c: c,
                cnt)

        cnt_f = lax.fori_loop(0, _N // 256, outer, jnp.int32(0))

        first = o_v[pl.ds(m * _S, 16)][0]
        first = jnp.where(cnt_f > 0, first, nbase)
        for h in range(_S // 16):
            posh = lanes + h * 16
            cur = plsc.load_gather(o_v, [m * _S + posh])
            outv = jnp.where(posh < cnt_f, cur, first)
            plsc.store_scatter(o_v, [m * _S + posh], outv)
        return 0

    lax.fori_loop(0, _MPW, per_m, 0)
    pltpu.sync_copy(o_v.at[pl.ds(0, _MPW * _S)],
                    out_hbm.at[pl.ds(wid * _MPW * _S, _MPW * _S)])


def _ballq(xs, ys, zs, nx, ny, nz):
    mesh = plsc.VectorSubcoreMesh(core_axis_name="c", subcore_axis_name="s")
    f = functools.partial(
        pl.kernel,
        mesh=mesh,
        out_type=jax.ShapeDtypeStruct((_ROWS,), jnp.int32),
        scratch_types=[
            pltpu.VMEM((_N,), jnp.float32),
            pltpu.VMEM((_N,), jnp.float32),
            pltpu.VMEM((_N,), jnp.float32),
            pltpu.VMEM((_N,), jnp.float32),
            pltpu.VMEM((_MPW + 16,), jnp.float32),
            pltpu.VMEM((_MPW + 16,), jnp.float32),
            pltpu.VMEM((_MPW + 16,), jnp.float32),
            pltpu.VMEM((_MPW * _S + 288,), jnp.int32),
        ],
        compiler_params=pltpu.CompilerParams(
            needs_layout_passes=False, use_tc_tiling_on_sc=False),
    )(_ballq_body)
    return f(xs, ys, zs, nx, ny, nz)


def _gather_body(table_hbm, idx_hbm, out_hbm, idx_v, rows_v, sem):
    cid = lax.axis_index("c")
    sid = lax.axis_index("s")
    wid = sid * 2 + cid
    base = wid * _RPW

    pltpu.sync_copy(idx_hbm.at[wid], idx_v)

    def chunk(j, _):
        pltpu.async_copy(table_hbm.at[idx_v.at[j]], rows_v, sem).wait()
        pltpu.sync_copy(rows_v, out_hbm.at[pl.ds(base + j * _CH, _CH)])
        return 0

    lax.fori_loop(0, _NCH, chunk, 0)


def _gather(table, idx3):
    mesh = plsc.VectorSubcoreMesh(core_axis_name="c", subcore_axis_name="s")
    f = functools.partial(
        pl.kernel,
        mesh=mesh,
        out_type=jax.ShapeDtypeStruct((_ROWS, _D), jnp.float32),
        scratch_types=[
            pltpu.VMEM((_NCH, _CH), jnp.int32),
            pltpu.VMEM((_CH, _D), jnp.float32),
            pltpu.SemaphoreType.DMA,
        ],
        compiler_params=pltpu.CompilerParams(use_tc_tiling_on_sc=False),
    )(_gather_body)
    return f(table, idx3)


_BLK_M = 128
_BLK_R = _BLK_M * _S


def _mlp_body(g_ref, nx_ref, w1_ref, w1x_ref, b1_ref, w2_ref, b2_ref, o_ref):
    g = g_ref[...]
    h1 = jnp.dot(g, w1_ref[...], preferred_element_type=jnp.float32)
    corr = jnp.dot(nx_ref[...], w1x_ref[...], preferred_element_type=jnp.float32)
    h1 = jnp.maximum(h1 - corr + b1_ref[...], 0.0)
    h2 = jnp.dot(h1, w2_ref[...], preferred_element_type=jnp.float32) + b2_ref[...]
    h2 = jnp.maximum(h2, 0.0)
    o_ref[...] = jnp.max(h2.reshape(_BLK_M, _S, 128), axis=1)


def _mlp(g, nrep, w1p, w1x, b1, w2t, b2):
    grid = _ROWS // _BLK_R
    return pl.pallas_call(
        _mlp_body,
        grid=(grid,),
        in_specs=[
            pl.BlockSpec((_BLK_R, _D), lambda i: (i, 0)),
            pl.BlockSpec((_BLK_R, 3), lambda i: (i, 0)),
            pl.BlockSpec((_D, 64), lambda i: (0, 0)),
            pl.BlockSpec((3, 64), lambda i: (0, 0)),
            pl.BlockSpec((1, 64), lambda i: (0, 0)),
            pl.BlockSpec((64, 128), lambda i: (0, 0)),
            pl.BlockSpec((1, 128), lambda i: (0, 0)),
        ],
        out_specs=pl.BlockSpec((_BLK_M, 128), lambda i: (i, 0)),
        out_shape=jax.ShapeDtypeStruct((_B * _M, 128), jnp.float32),
    )(g, nrep, w1p, w1x, b1, w2t, b2)


def kernel(xyz, features, W1, b1, W2, b2):
    B, N, _ = xyz.shape
    xs = xyz[:, :, 0]
    ys = xyz[:, :, 1]
    zs = xyz[:, :, 2]

    nx, ny, nz = _fps(xs, ys, zs)

    idx = _ballq(xs.reshape(-1), ys.reshape(-1), zs.reshape(-1),
                 nx.reshape(-1), ny.reshape(-1), nz.reshape(-1))
    idx3 = idx.reshape(_NW, _NCH, _CH)

    table = jnp.concatenate(
        [xyz, jnp.transpose(features, (0, 2, 1)),
         jnp.zeros((B, N, _D - 3 - _C), jnp.float32)], axis=-1
    ).reshape(B * N, _D)
    g = _gather(table, idx3)

    new_xyz = jnp.stack([nx, ny, nz], axis=-1)
    nrep = jnp.repeat(new_xyz.reshape(B * _M, 3), _S, axis=0)

    w1p = jnp.concatenate(
        [W1, jnp.zeros((64, _D - 3 - _C), jnp.float32)], axis=1).T
    feats = _mlp(g, nrep, w1p, w1p[:3], b1[None, :], W2.T, b2[None, :])

    new_features = feats.reshape(B, _M, 128).transpose(0, 2, 1)
    return new_xyz, new_features

# --- scband reference (transcript-rebuilt; emitter-appended) ---
"""Pipeline reference for scband-point-net2-set-abstraction-53506702574031 (READ-ONLY COPY).

The authoritative reference and input builder live on the scoring server;
editing this copy changes nothing except your own understanding.
"""

import jax, jax.numpy as jnp
import numpy as np

RADIUS = 0.2
NSAMPLE = 32
NPOINT = 1024


def setup_inputs(seed: int = 0):
    key = jax.random.key(seed)
    k1, k2, k3, k4 = jax.random.split(key, 4)
    B, N, C = 8, 4096, 64
    xyz = jax.random.uniform(k1, (B, N, 3), dtype=jnp.float32)
    features = jax.random.normal(k2, (B, C, N), dtype=jnp.float32)
    c_in = C + 3
    W1 = jax.random.normal(k3, (64, c_in), dtype=jnp.float32) * (1.0 / np.sqrt(c_in))
    b1 = jnp.zeros((64,), dtype=jnp.float32)
    W2 = jax.random.normal(k4, (128, 64), dtype=jnp.float32) * (1.0 / np.sqrt(64.0))
    b2 = jnp.zeros((128,), dtype=jnp.float32)
    return {"xyz": xyz, "features": features, "W1": W1, "b1": b1, "W2": W2, "b2": b2}


def furthest_point_sampling(xyz, npoint):
    # iterative FPS, returns int32 (B, npoint); first selected index is 0 (matches CUDA kernel)
    B, N, _ = xyz.shape

    def body(i, state):
        dists, idxs, farthest = state
        idxs = idxs.at[:, i].set(farthest)
        centroid = jnp.take_along_axis(
            xyz, jnp.broadcast_to(farthest[:, None, None], (B, 1, 3)), axis=1)
        d = jnp.sum((xyz - centroid) ** 2, axis=-1)
        dists = jnp.minimum(dists, d)
        farthest = jnp.argmax(dists, axis=1).astype(jnp.int32)
        return (dists, idxs, farthest)

    dists0 = jnp.full((B, N), 1e10, dtype=jnp.float32)
    idxs0 = jnp.zeros((B, npoint), dtype=jnp.int32)
    far0 = jnp.zeros((B,), dtype=jnp.int32)
    _, idxs, _ = jax.lax.fori_loop(0, npoint, body, (dists0, idxs0, far0))
    return idxs


def ball_query(new_xyz, xyz, radius, nsample):
    # (B, M, nsample) int32 indices: first nsample points (in index order) within radius,
    # padded with the first valid index (matches CUDA ball_query semantics)
    B, M, _ = new_xyz.shape
    N = xyz.shape[1]
    a2 = jnp.sum(new_xyz * new_xyz, axis=-1)[:, :, None]
    b2 = jnp.sum(xyz * xyz, axis=-1)[:, None, :]
    ab = jnp.einsum('bmd,bnd->bmn', new_xyz, xyz)
    d2 = a2 + b2 - 2.0 * ab
    mask = d2 < radius * radius
    arange = jnp.arange(N, dtype=jnp.int32)
    cand = jnp.where(mask, arange[None, None, :], N)
    sorted_idx = jnp.sort(cand, axis=-1)[..., :nsample]
    first = sorted_idx[..., :1]
    first = jnp.where(first == N, 0, first)
    idx = jnp.where(sorted_idx == N, first, sorted_idx)
    return idx.astype(jnp.int32)


def group_gather(features, idx):
    # features (B, C, N), idx (B, M, S) -> (B, C, M, S)
    B, C, N = features.shape
    M, S = idx.shape[1], idx.shape[2]
    idx_flat = jnp.broadcast_to(idx.reshape(B, 1, M * S), (B, C, M * S))
    out = jnp.take_along_axis(features, idx_flat, axis=2)
    return out.reshape(B, C, M, S)


def gather_points(xyz, idx):
    # xyz (B, N, 3), idx (B, M) -> (B, M, 3)
    B, M = idx.shape
    return jnp.take_along_axis(xyz, jnp.broadcast_to(idx[:, :, None], (B, M, 3)), axis=1)


def reference(xyz, features, W1, b1, W2, b2):
    fps_idx = furthest_point_sampling(xyz, NPOINT)
    new_xyz = gather_points(xyz, fps_idx)  # (B, npoint, 3)
    idx = ball_query(new_xyz, xyz, RADIUS, NSAMPLE)  # (B, npoint, nsample)
    xyz_t = jnp.transpose(xyz, (0, 2, 1))
    grouped_xyz = group_gather(xyz_t, idx)  # (B, 3, npoint, nsample)
    grouped_xyz = grouped_xyz - jnp.transpose(new_xyz, (0, 2, 1))[..., None]
    grouped_feat = group_gather(features, idx)  # (B, C, npoint, nsample)
    nf = jnp.concatenate([grouped_xyz, grouped_feat], axis=1)  # (B, 3+C, npoint, nsample)
    # shared pointnet MLP: 1x1 conv + relu stack
    h = jnp.einsum('bcms,oc->boms', nf, W1) + b1[None, :, None, None]
    h = jax.nn.relu(h)
    h = jnp.einsum('bcms,oc->boms', h, W2) + b2[None, :, None, None]
    h = jax.nn.relu(h)
    new_features = jnp.max(h, axis=-1)  # max-pool over nsample -> (B, 128, npoint)
    return new_xyz, new_features

if __name__ == "__main__":
    import jax
    _d = setup_inputs()
    print(jax.jit(kernel)(*tuple(_d.values())))

</pallas_src>

<mosaic_0001>
#map = affine_map<(d0, d1) -> (0, 0)>
#map1 = affine_map<(d0, d1) -> (0, 0, 0)>
module attributes {stable_mosaic.version = 14 : i64} {
  func.func @_gather_body(%arg0: i32, %arg1: i32, %arg2: memref<32768x80xf32, #tpu.memory_space<hbm>>, %arg3: memref<32x64x128xi32, #tpu.memory_space<hbm>>, %arg4: memref<262144x80xf32, #tpu.memory_space<hbm>>, %arg5: memref<64x128xi32, #tpu.memory_space<vmem>>, %arg6: memref<128x80xf32, #tpu.memory_space<vmem>>, %arg7: memref<!tpu.dma_semaphore, #tpu.memory_space<semaphore_mem>>) attributes {dimension_semantics = [#tpu.dimension_semantics<core_parallel>, #tpu.dimension_semantics<subcore_parallel>], iteration_bounds = array<i64: 2, 16>, scalar_prefetch = 0 : i64, scratch_operands = 3 : i64, tpu.core_type = #tpu.core_type<sc_vector_subcore>, window_params = [{transform_indices = #map}, {transform_indices = #map1}, {transform_indices = #map}]} {
    %mul3A = arith.constant 2 : i32
    %mul3A_0 = arith.muli %arg1, %mul3A : i32
    %add3A = arith.addi %mul3A_0, %arg0 : i32
    %mul3A_1 = arith.constant 8192 : i32
    %mul3A_2 = arith.muli %add3A, %mul3A_1 : i32
    "tpu.region"() ({
      %run_scoped3A = tpu.sem_alloc : memref<!tpu.dma_semaphore, #tpu.memory_space<semaphore_mem>>
      %dma_start3A = arith.constant 0 : i32
      %dma_start3A_9 = arith.constant 0 : i32
      %dma_start3A_10 = tpu.memref_slice %arg3[%add3A, %dma_start3A, %dma_start3A_9] : memref<32x64x128xi32, #tpu.memory_space<hbm>> -> memref<1x64x128xi32, #tpu.memory_space<hbm>>
      %dma_start3A_11 = tpu.memref_squeeze %dma_start3A_10 : memref<1x64x128xi32, #tpu.memory_space<hbm>> -> memref<64x128xi32, #tpu.memory_space<hbm>>
      %dma_start3A_12 = arith.constant 0 : i32
      %dma_start3A_13 = arith.constant 0 : i32
      %dma_start3A_14 = tpu.memref_slice %arg3[%add3A, %dma_start3A_12, %dma_start3A_13] : memref<32x64x128xi32, #tpu.memory_space<hbm>> -> memref<1x64x128xi32, #tpu.memory_space<hbm>>
      %dma_start3A_15 = tpu.memref_squeeze %dma_start3A_14 : memref<1x64x128xi32, #tpu.memory_space<hbm>> -> memref<64x128xi32, #tpu.memory_space<hbm>>
      tpu.enqueue_dma source(%dma_start3A_15 : memref<64x128xi32, #tpu.memory_space<hbm>>) target(%arg5 : memref<64x128xi32, #tpu.memory_space<vmem>>) target_semaphore(%run_scoped3A : memref<!tpu.dma_semaphore, #tpu.memory_space<semaphore_mem>>)
      %dma_wait3A = arith.constant 0 : i32
      %dma_wait3A_16 = arith.constant 0 : i32
      %dma_wait3A_17 = tpu.memref_slice %arg3[%add3A, %dma_wait3A, %dma_wait3A_16] : memref<32x64x128xi32, #tpu.memory_space<hbm>> -> memref<1x64x128xi32, #tpu.memory_space<hbm>>
      %dma_wait3A_18 = tpu.memref_squeeze %dma_wait3A_17 : memref<1x64x128xi32, #tpu.memory_space<hbm>> -> memref<64x128xi32, #tpu.memory_space<hbm>>
      %dma_wait3A_19 = arith.constant 0 : i32
      %dma_wait3A_20 = arith.constant 0 : i32
      %dma_wait3A_21 = tpu.memref_slice %arg3[%add3A, %dma_wait3A_19, %dma_wait3A_20] : memref<32x64x128xi32, #tpu.memory_space<hbm>> -> memref<1x64x128xi32, #tpu.memory_space<hbm>>
      %dma_wait3A_22 = tpu.memref_squeeze %dma_wait3A_21 : memref<1x64x128xi32, #tpu.memory_space<hbm>> -> memref<64x128xi32, #tpu.memory_space<hbm>>
      tpu.wait_dma2 semaphore(%run_scoped3A : memref<!tpu.dma_semaphore, #tpu.memory_space<semaphore_mem>>) src(%dma_wait3A_22 : memref<64x128xi32, #tpu.memory_space<hbm>>) dst(%arg5 : memref<64x128xi32, #tpu.memory_space<vmem>>)
      tpu.yield
    }) : () -> ()
    %scan3A = arith.constant 0 : i32
    %scan3A_3 = arith.constant 0 : i32
    %scan3A_4 = arith.constant 64 : i32
    %scan3A_5 = arith.addi %scan3A_3, %scan3A_4 : i32
    %scan3A_6 = arith.constant 1 : i32
    %scan3A_7 = scf.for %scan3A_9 = %scan3A_3 to %scan3A_5 step %scan3A_6 iter_args(%scan3A_10 = %scan3A) -> (i32)  : i32 {
      %dma_start3A = arith.constant 0 : i32
      %dma_start3A_11 = tpu.memref_slice %arg5[%scan3A_9, %dma_start3A] : memref<64x128xi32, #tpu.memory_space<vmem>> -> memref<1x128xi32, #tpu.memory_space<vmem>>
      %dma_start3A_12 = tpu.memref_squeeze %dma_start3A_11 : memref<1x128xi32, #tpu.memory_space<vmem>> -> memref<128xi32, #tpu.memory_space<vmem>>
      %dma_start3A_13 = arith.constant 0 : i32
      %dma_start3A_14 = arith.constant 0 : i32
      %dma_start3A_15 = tpu.memref_slice %arg2[%dma_start3A_13, %dma_start3A_14] : memref<32768x80xf32, #tpu.memory_space<hbm>> -> memref<32768x80xf32, #tpu.memory_space<hbm>>
      tpu.enqueue_indirect_dma source(%dma_start3A_15 : memref<32768x80xf32, #tpu.memory_space<hbm>>) target(%arg6 : memref<128x80xf32, #tpu.memory_space<vmem>>) offsets(%dma_start3A_12 : memref<128xi32, #tpu.memory_space<vmem>>) semaphore(%arg7 : memref<!tpu.dma_semaphore, #tpu.memory_space<semaphore_mem>>)
      %dma_wait3A = arith.constant 0 : i32
      %dma_wait3A_16 = tpu.memref_slice %arg5[%scan3A_9, %dma_wait3A] : memref<64x128xi32, #tpu.memory_space<vmem>> -> memref<1x128xi32, #tpu.memory_space<vmem>>
      %dma_wait3A_17 = tpu.memref_squeeze %dma_wait3A_16 : memref<1x128xi32, #tpu.memory_space<vmem>> -> memref<128xi32, #tpu.memory_space<vmem>>
      %dma_wait3A_18 = arith.constant 0 : i32
      %dma_wait3A_19 = arith.constant 0 : i32
      %dma_wait3A_20 = tpu.memref_slice %arg2[%dma_wait3A_18, %dma_wait3A_19] : memref<32768x80xf32, #tpu.memory_space<hbm>> -> memref<32768x80xf32, #tpu.memory_space<hbm>>
      tpu.wait_indirect_dma semaphore(%arg7 : memref<!tpu.dma_semaphore, #tpu.memory_space<semaphore_mem>>) src(%dma_wait3A_20 : memref<32768x80xf32, #tpu.memory_space<hbm>>) dst(%arg6 : memref<128x80xf32, #tpu.memory_space<vmem>>)
      %mul3A_21 = arith.constant 128 : i32
      %mul3A_22 = arith.muli %scan3A_9, %mul3A_21 : i32
      %add3A_23 = arith.addi %mul3A_2, %mul3A_22 : i32
      "tpu.region"() ({
        %run_scoped3A = tpu.sem_alloc : memref<!tpu.dma_semaphore, #tpu.memory_space<semaphore_mem>>
        %dma_start3A_25 = arith.constant 0 : i32
        %dma_start3A_26 = tpu.memref_slice %arg4[%add3A_23, %dma_start3A_25] : memref<262144x80xf32, #tpu.memory_space<hbm>> -> memref<128x80xf32, #tpu.memory_space<hbm>>
        %dma_start3A_27 = arith.constant 0 : i32
        %dma_start3A_28 = tpu.memref_slice %arg4[%add3A_23, %dma_start3A_27] : memref<262144x80xf32, #tpu.memory_space<hbm>> -> memref<128x80xf32, #tpu.memory_space<hbm>>
        tpu.enqueue_dma source(%arg6 : memref<128x80xf32, #tpu.memory_space<vmem>>) target(%dma_start3A_28 : memref<128x80xf32, #tpu.memory_space<hbm>>) target_semaphore(%run_scoped3A : memref<!tpu.dma_semaphore, #tpu.memory_space<semaphore_mem>>)
        %dma_wait3A_29 = arith.constant 0 : i32
        %dma_wait3A_30 = tpu.memref_slice %arg4[%add3A_23, %dma_wait3A_29] : memref<262144x80xf32, #tpu.memory_space<hbm>> -> memref<128x80xf32, #tpu.memory_space<hbm>>
        %dma_wait3A_31 = arith.constant 0 : i32
        %dma_wait3A_32 = tpu.memref_slice %arg4[%add3A_23, %dma_wait3A_31] : memref<262144x80xf32, #tpu.memory_space<hbm>> -> memref<128x80xf32, #tpu.memory_space<hbm>>
        tpu.wait_dma2 semaphore(%run_scoped3A : memref<!tpu.dma_semaphore, #tpu.memory_space<semaphore_mem>>) src(%arg6 : memref<128x80xf32, #tpu.memory_space<vmem>>) dst(%dma_wait3A_32 : memref<128x80xf32, #tpu.memory_space<hbm>>)
        tpu.yield
      }) : () -> ()
      %scan3A_24 = arith.constant 0 : i32
      scf.yield %scan3A_24 : i32
    }
    %scan3A_8 = arith.constant 64 : i32
    return
  }
}

#map = affine_map<(d0, d1) -> (0)>
module attributes {stable_mosaic.version = 14 : i64} {
  func.func @_ballq_body(%arg0: i32, %arg1: i32, %arg2: memref<32768xf32, #tpu.memory_space<hbm>>, %arg3: memref<32768xf32, #tpu.memory_space<hbm>>, %arg4: memref<32768xf32, #tpu.memory_space<hbm>>, %arg5: memref<8192xf32, #tpu.memory_space<hbm>>, %arg6: memref<8192xf32, #tpu.memory_space<hbm>>, %arg7: memref<8192xf32, #tpu.memory_space<hbm>>, %arg8: memref<262144xi32, #tpu.memory_space<hbm>>, %arg9: memref<4096xf32, #tpu.memory_space<vmem>>, %arg10: memref<4096xf32, #tpu.memory_space<vmem>>, %arg11: memref<4096xf32, #tpu.memory_space<vmem>>, %arg12: memref<4096xf32, #tpu.memory_space<vmem>>, %arg13: memref<272xf32, #tpu.memory_space<vmem>>, %arg14: memref<272xf32, #tpu.memory_space<vmem>>, %arg15: memref<272xf32, #tpu.memory_space<vmem>>, %arg16: memref<8480xi32, #tpu.memory_space<vmem>>) attributes {dimension_semantics = [#tpu.dimension_semantics<core_parallel>, #tpu.dimension_semantics<subcore_parallel>], iteration_bounds = array<i64: 2, 16>, scalar_prefetch = 0 : i64, scratch_operands = 8 : i64, tpu.core_type = #tpu.core_type<sc_vector_subcore>, window_params = [{transform_indices = #map}, {transform_indices = #map}, {transform_indices = #map}, {transform_indices = #map}, {transform_indices = #map}, {transform_indices = #map}, {transform_indices = #map}]} {
    %mul3A = arith.constant 2 : i32
    %mul3A_0 = arith.muli %arg1, %mul3A : i32
    %add3A = arith.addi %mul3A_0, %arg0 : i32
    %jit3A = arith.constant 4 : i32
    %div3A = arith.divsi %add3A, %jit3A : i32
    %sign3A = arith.constant 0 : i32
    %sign3A_1 = arith.cmpi sgt, %add3A, %sign3A : i32
    %sign3A_2 = arith.extui %sign3A_1 : i1 to i32
    %sign3A_3 = arith.constant 0 : i32
    %sign3A_4 = arith.cmpi slt, %add3A, %sign3A_3 : i32
    %sign3A_5 = arith.extui %sign3A_4 : i1 to i32
    %sign3A_6 = arith.subi %sign3A_2, %sign3A_5 : i32
    %sign3A_7 = arith.constant 0 : i32
    %sign3A_8 = arith.cmpi sgt, %jit3A, %sign3A_7 : i32
    %sign3A_9 = arith.extui %sign3A_8 : i1 to i32
    %sign3A_10 = arith.constant 0 : i32
    %sign3A_11 = arith.cmpi slt, %jit3A, %sign3A_10 : i32
    %sign3A_12 = arith.extui %sign3A_11 : i1 to i32
    %sign3A_13 = arith.subi %sign3A_9, %sign3A_12 : i32
    %ne3A = arith.cmpi ne, %sign3A_6, %sign3A_13 : i32
    %rem3A = arith.remsi %add3A, %jit3A : i32
    %ne3A_14 = arith.constant 0 : i32
    %ne3A_15 = arith.cmpi ne, %rem3A, %ne3A_14 : i32
    %and3A = arith.andi %ne3A, %ne3A_15 : i1
    %sub3A = arith.constant 1 : i32
    %sub3A_16 = arith.subi %div3A, %sub3A : i32
    %select_n3A = arith.select %and3A, %sub3A_16, %div3A : i32
    %jit3A_17 = arith.constant 4 : i32
    %eq3A = arith.constant 0 : i32
    %eq3A_18 = arith.cmpi eq, %jit3A_17, %eq3A : i32
    %jit3A_19 = arith.constant 1 : i32
    %select_n3A_20 = arith.select %eq3A_18, %jit3A_19, %jit3A_17 : i32
    %rem3A_21 = arith.remsi %add3A, %select_n3A_20 : i32
    %ne3A_22 = arith.constant 0 : i32
    %ne3A_23 = arith.cmpi ne, %rem3A_21, %ne3A_22 : i32
    %lt3A = arith.constant 0 : i32
    %lt3A_24 = arith.cmpi slt, %rem3A_21, %lt3A : i32
    %lt3A_25 = arith.constant 0 : i32
    %lt3A_26 = arith.cmpi slt, %select_n3A_20, %lt3A_25 : i32
    %ne3A_27 = arith.xori %lt3A_24, %lt3A_26 : i1
    %and3A_28 = arith.andi %ne3A_27, %ne3A_23 : i1
    %add3A_29 = arith.addi %rem3A_21, %select_n3A_20 : i32
    %select_n3A_30 = arith.select %and3A_28, %add3A_29, %rem3A_21 : i32
    %mul3A_31 = arith.constant 256 : i32
    %mul3A_32 = arith.muli %select_n3A_30, %mul3A_31 : i32
    %mul3A_33 = arith.constant 1024 : i32
    %mul3A_34 = arith.muli %select_n3A, %mul3A_33 : i32
    %add3A_35 = arith.addi %mul3A_34, %mul3A_32 : i32
    %mul3A_36 = arith.constant 4096 : i32
    %mul3A_37 = arith.muli %select_n3A, %mul3A_36 : i32
    "tpu.region"() ({
      %run_scoped3A = tpu.sem_alloc : memref<!tpu.dma_semaphore, #tpu.memory_space<semaphore_mem>>
      %dma_start3A = tpu.memref_slice %arg2[%mul3A_37] : memref<32768xf32, #tpu.memory_space<hbm>> -> memref<4096xf32, #tpu.memory_space<hbm>>
      %dma_start3A_68 = tpu.memref_slice %arg2[%mul3A_37] : memref<32768xf32, #tpu.memory_space<hbm>> -> memref<4096xf32, #tpu.memory_space<hbm>>
      tpu.enqueue_dma source(%dma_start3A_68 : memref<4096xf32, #tpu.memory_space<hbm>>) target(%arg9 : memref<4096xf32, #tpu.memory_space<vmem>>) target_semaphore(%run_scoped3A : memref<!tpu.dma_semaphore, #tpu.memory_space<semaphore_mem>>)
      %dma_wait3A = tpu.memref_slice %arg2[%mul3A_37] : memref<32768xf32, #tpu.memory_space<hbm>> -> memref<4096xf32, #tpu.memory_space<hbm>>
      %dma_wait3A_69 = tpu.memref_slice %arg2[%mul3A_37] : memref<32768xf32, #tpu.memory_space<hbm>> -> memref<4096xf32, #tpu.memory_space<hbm>>
      tpu.wait_dma2 semaphore(%run_scoped3A : memref<!tpu.dma_semaphore, #tpu.memory_space<semaphore_mem>>) src(%dma_wait3A_69 : memref<4096xf32, #tpu.memory_space<hbm>>) dst(%arg9 : memref<4096xf32, #tpu.memory_space<vmem>>)
      tpu.yield
    }) : () -> ()
    %mul3A_38 = arith.constant 4096 : i32
    %mul3A_39 = arith.muli %select_n3A, %mul3A_38 : i32
    "tpu.region"() ({
      %run_scoped3A = tpu.sem_alloc : memref<!tpu.dma_semaphore, #tpu.memory_space<semaphore_mem>>
      %dma_start3A = tpu.memref_slice %arg3[%mul3A_39] : memref<32768xf32, #tpu.memory_space<hbm>> -> memref<4096xf32, #tpu.memory_space<hbm>>
      %dma_start3A_68 = tpu.memref_slice %arg3[%mul3A_39] : memref<32768xf32, #tpu.memory_space<hbm>> -> memref<4096xf32, #tpu.memory_space<hbm>>
      tpu.enqueue_dma source(%dma_start3A_68 : memref<4096xf32, #tpu.memory_space<hbm>>) target(%arg10 : memref<4096xf32, #tpu.memory_space<vmem>>) target_semaphore(%run_scoped3A : memref<!tpu.dma_semaphore, #tpu.memory_space<semaphore_mem>>)
      %dma_wait3A = tpu.memref_slice %arg3[%mul3A_39] : memref<32768xf32, #tpu.memory_space<hbm>> -> memref<4096xf32, #tpu.memory_space<hbm>>
      %dma_wait3A_69 = tpu.memref_slice %arg3[%mul3A_39] : memref<32768xf32, #tpu.memory_space<hbm>> -> memref<4096xf32, #tpu.memory_space<hbm>>
      tpu.wait_dma2 semaphore(%run_scoped3A : memref<!tpu.dma_semaphore, #tpu.memory_space<semaphore_mem>>) src(%dma_wait3A_69 : memref<4096xf32, #tpu.memory_space<hbm>>) dst(%arg10 : memref<4096xf32, #tpu.memory_space<vmem>>)
      tpu.yield
    }) : () -> ()
    %mul3A_40 = arith.constant 4096 : i32
    %mul3A_41 = arith.muli %select_n3A, %mul3A_40 : i32
    "tpu.region"() ({
      %run_scoped3A = tpu.sem_alloc : memref<!tpu.dma_semaphore, #tpu.memory_space<semaphore_mem>>
      %dma_start3A = tpu.memref_slice %arg4[%mul3A_41] : memref<32768xf32, #tpu.memory_space<hbm>> -> memref<4096xf32, #tpu.memory_space<hbm>>
      %dma_start3A_68 = tpu.memref_slice %arg4[%mul3A_41] : memref<32768xf32, #tpu.memory_space<hbm>> -> memref<4096xf32, #tpu.memory_space<hbm>>
      tpu.enqueue_dma source(%dma_start3A_68 : memref<4096xf32, #tpu.memory_space<hbm>>) target(%arg11 : memref<4096xf32, #tpu.memory_space<vmem>>) target_semaphore(%run_scoped3A : memref<!tpu.dma_semaphore, #tpu.memory_space<semaphore_mem>>)
      %dma_wait3A = tpu.memref_slice %arg4[%mul3A_41] : memref<32768xf32, #tpu.memory_space<hbm>> -> memref<4096xf32, #tpu.memory_space<hbm>>
      %dma_wait3A_69 = tpu.memref_slice %arg4[%mul3A_41] : memref<32768xf32, #tpu.memory_space<hbm>> -> memref<4096xf32, #tpu.memory_space<hbm>>
      tpu.wait_dma2 semaphore(%run_scoped3A : memref<!tpu.dma_semaphore, #tpu.memory_space<semaphore_mem>>) src(%dma_wait3A_69 : memref<4096xf32, #tpu.memory_space<hbm>>) dst(%arg11 : memref<4096xf32, #tpu.memory_space<vmem>>)
      tpu.yield
    }) : () -> ()
    "tpu.region"() ({
      %run_scoped3A = tpu.sem_alloc : memref<!tpu.dma_semaphore, #tpu.memory_space<semaphore_mem>>
      %dma_start3A = arith.constant 0 : i32
      %dma_start3A_68 = tpu.memref_slice %arg13[%dma_start3A] : memref<272xf32, #tpu.memory_space<vmem>> -> memref<256xf32, #tpu.memory_space<vmem>>
      %dma_start3A_69 = tpu.memref_slice %arg5[%add3A_35] : memref<8192xf32, #tpu.memory_space<hbm>> -> memref<256xf32, #tpu.memory_space<hbm>>
      %dma_start3A_70 = arith.constant 0 : i32
      %dma_start3A_71 = tpu.memref_slice %arg13[%dma_start3A_70] : memref<272xf32, #tpu.memory_space<vmem>> -> memref<256xf32, #tpu.memory_space<vmem>>
      %dma_start3A_72 = tpu.memref_slice %arg5[%add3A_35] : memref<8192xf32, #tpu.memory_space<hbm>> -> memref<256xf32, #tpu.memory_space<hbm>>
      tpu.enqueue_dma source(%dma_start3A_72 : memref<256xf32, #tpu.memory_space<hbm>>) target(%dma_start3A_71 : memref<256xf32, #tpu.memory_space<vmem>>) target_semaphore(%run_scoped3A : memref<!tpu.dma_semaphore, #tpu.memory_space<semaphore_mem>>)
      %dma_wait3A = arith.constant 0 : i32
      %dma_wait3A_73 = tpu.memref_slice %arg13[%dma_wait3A] : memref<272xf32, #tpu.memory_space<vmem>> -> memref<256xf32, #tpu.memory_space<vmem>>
      %dma_wait3A_74 = tpu.memref_slice %arg5[%add3A_35] : memref<8192xf32, #tpu.memory_space<hbm>> -> memref<256xf32, #tpu.memory_space<hbm>>
      %dma_wait3A_75 = arith.constant 0 : i32
      %dma_wait3A_76 = tpu.memref_slice %arg13[%dma_wait3A_75] : memref<272xf32, #tpu.memory_space<vmem>> -> memref<256xf32, #tpu.memory_space<vmem>>
      %dma_wait3A_77 = tpu.memref_slice %arg5[%add3A_35] : memref<8192xf32, #tpu.memory_space<hbm>> -> memref<256xf32, #tpu.memory_space<hbm>>
      tpu.wait_dma2 semaphore(%run_scoped3A : memref<!tpu.dma_semaphore, #tpu.memory_space<semaphore_mem>>) src(%dma_wait3A_77 : memref<256xf32, #tpu.memory_space<hbm>>) dst(%dma_wait3A_76 : memref<256xf32, #tpu.memory_space<vmem>>)
      tpu.yield
    }) : () -> ()
    "tpu.region"() ({
      %run_scoped3A = tpu.sem_alloc : memref<!tpu.dma_semaphore, #tpu.memory_space<semaphore_mem>>
      %dma_start3A = arith.constant 0 : i32
      %dma_start3A_68 = tpu.memref_slice %arg14[%dma_start3A] : memref<272xf32, #tpu.memory_space<vmem>> -> memref<256xf32, #tpu.memory_space<vmem>>
      %dma_start3A_69 = tpu.memref_slice %arg6[%add3A_35] : memref<8192xf32, #tpu.memory_space<hbm>> -> memref<256xf32, #tpu.memory_space<hbm>>
      %dma_start3A_70 = arith.constant 0 : i32
      %dma_start3A_71 = tpu.memref_slice %arg14[%dma_start3A_70] : memref<272xf32, #tpu.memory_space<vmem>> -> memref<256xf32, #tpu.memory_space<vmem>>
      %dma_start3A_72 = tpu.memref_slice %arg6[%add3A_35] : memref<8192xf32, #tpu.memory_space<hbm>> -> memref<256xf32, #tpu.memory_space<hbm>>
      tpu.enqueue_dma source(%dma_start3A_72 : memref<256xf32, #tpu.memory_space<hbm>>) target(%dma_start3A_71 : memref<256xf32, #tpu.memory_space<vmem>>) target_semaphore(%run_scoped3A : memref<!tpu.dma_semaphore, #tpu.memory_space<semaphore_mem>>)
      %dma_wait3A = arith.constant 0 : i32
      %dma_wait3A_73 = tpu.memref_slice %arg14[%dma_wait3A] : memref<272xf32, #tpu.memory_space<vmem>> -> memref<256xf32, #tpu.memory_space<vmem>>
      %dma_wait3A_74 = tpu.memref_slice %arg6[%add3A_35] : memref<8192xf32, #tpu.memory_space<hbm>> -> memref<256xf32, #tpu.memory_space<hbm>>
      %dma_wait3A_75 = arith.constant 0 : i32
      %dma_wait3A_76 = tpu.memref_slice %arg14[%dma_wait3A_75] : memref<272xf32, #tpu.memory_space<vmem>> -> memref<256xf32, #tpu.memory_space<vmem>>
      %dma_wait3A_77 = tpu.memref_slice %arg6[%add3A_35] : memref<8192xf32, #tpu.memory_space<hbm>> -> memref<256xf32, #tpu.memory_space<hbm>>
      tpu.wait_dma2 semaphore(%run_scoped3A : memref<!tpu.dma_semaphore, #tpu.memory_space<semaphore_mem>>) src(%dma_wait3A_77 : memref<256xf32, #tpu.memory_space<hbm>>) dst(%dma_wait3A_76 : memref<256xf32, #tpu.memory_space<vmem>>)
      tpu.yield
    }) : () -> ()
    "tpu.region"() ({
      %run_scoped3A = tpu.sem_alloc : memref<!tpu.dma_semaphore, #tpu.memory_space<semaphore_mem>>
      %dma_start3A = arith.constant 0 : i32
      %dma_start3A_68 = tpu.memref_slice %arg15[%dma_start3A] : memref<272xf32, #tpu.memory_space<vmem>> -> memref<256xf32, #tpu.memory_space<vmem>>
      %dma_start3A_69 = tpu.memref_slice %arg7[%add3A_35] : memref<8192xf32, #tpu.memory_space<hbm>> -> memref<256xf32, #tpu.memory_space<hbm>>
      %dma_start3A_70 = arith.constant 0 : i32
      %dma_start3A_71 = tpu.memref_slice %arg15[%dma_start3A_70] : memref<272xf32, #tpu.memory_space<vmem>> -> memref<256xf32, #tpu.memory_space<vmem>>
      %dma_start3A_72 = tpu.memref_slice %arg7[%add3A_35] : memref<8192xf32, #tpu.memory_space<hbm>> -> memref<256xf32, #tpu.memory_space<hbm>>
      tpu.enqueue_dma source(%dma_start3A_72 : memref<256xf32, #tpu.memory_space<hbm>>) target(%dma_start3A_71 : memref<256xf32, #tpu.memory_space<vmem>>) target_semaphore(%run_scoped3A : memref<!tpu.dma_semaphore, #tpu.memory_space<semaphore_mem>>)
      %dma_wait3A = arith.constant 0 : i32
      %dma_wait3A_73 = tpu.memref_slice %arg15[%dma_wait3A] : memref<272xf32, #tpu.memory_space<vmem>> -> memref<256xf32, #tpu.memory_space<vmem>>
      %dma_wait3A_74 = tpu.memref_slice %arg7[%add3A_35] : memref<8192xf32, #tpu.memory_space<hbm>> -> memref<256xf32, #tpu.memory_space<hbm>>
      %dma_wait3A_75 = arith.constant 0 : i32
      %dma_wait3A_76 = tpu.memref_slice %arg15[%dma_wait3A_75] : memref<272xf32, #tpu.memory_space<vmem>> -> memref<256xf32, #tpu.memory_space<vmem>>
      %dma_wait3A_77 = tpu.memref_slice %arg7[%add3A_35] : memref<8192xf32, #tpu.memory_space<hbm>> -> memref<256xf32, #tpu.memory_space<hbm>>
      tpu.wait_dma2 semaphore(%run_scoped3A : memref<!tpu.dma_semaphore, #tpu.memory_space<semaphore_mem>>) src(%dma_wait3A_77 : memref<256xf32, #tpu.memory_space<hbm>>) dst(%dma_wait3A_76 : memref<256xf32, #tpu.memory_space<vmem>>)
      tpu.yield
    }) : () -> ()
    %iota3A = tpu.iota {dimensions = array<i32: 0>} : vector<16xi32>
    %mul3A_42 = arith.constant 4096 : i32
    %mul3A_43 = arith.muli %select_n3A, %mul3A_42 : i32
    %scan3A = arith.constant 0 : i32
    %scan3A_44 = arith.constant 0 : i32
    %scan3A_45 = arith.constant 256 : i32
    %scan3A_46 = arith.addi %scan3A_44, %scan3A_45 : i32
    %scan3A_47 = arith.constant 1 : i32
    %scan3A_48 = scf.for %scan3A_68 = %scan3A_44 to %scan3A_46 step %scan3A_47 iter_args(%scan3A_69 = %scan3A) -> (i32)  : i32 {
      %mul3A_70 = arith.constant 16 : i32
      %mul3A_71 = arith.muli %scan3A_68, %mul3A_70 : i32
      %get3A = arith.index_cast %mul3A_71 : i32 to index
      %get3A_72 = tpu.vector_load %arg9[%get3A] {strides = array<i32>} : memref<4096xf32, #tpu.memory_space<vmem>>, vector<16xf32>,
      %get3A_73 = arith.index_cast %mul3A_71 : i32 to index
      %get3A_74 = tpu.vector_load %arg10[%get3A_73] {strides = array<i32>} : memref<4096xf32, #tpu.memory_space<vmem>>, vector<16xf32>,
      %get3A_75 = arith.index_cast %mul3A_71 : i32 to index
      %get3A_76 = tpu.vector_load %arg11[%get3A_75] {strides = array<i32>} : memref<4096xf32, #tpu.memory_space<vmem>>, vector<16xf32>,
      %mul3A_77 = arith.mulf %get3A_72, %get3A_72 : vector<16xf32>
      %mul3A_78 = arith.mulf %get3A_74, %get3A_74 : vector<16xf32>
      %add3A_79 = arith.addf %mul3A_77, %mul3A_78 : vector<16xf32>
      %mul3A_80 = arith.mulf %get3A_76, %get3A_76 : vector<16xf32>
      %add3A_81 = arith.addf %add3A_79, %mul3A_80 : vector<16xf32>
      %swap3A = arith.index_cast %mul3A_71 : i32 to index
      %swap3A_82 = tpu.vector_load %arg12[%swap3A] {strides = array<i32>} : memref<4096xf32, #tpu.memory_space<vmem>>, vector<16xf32>,
      tpu.vector_store %arg12[%swap3A], %add3A_81 {strides = array<i32>} : memref<4096xf32, #tpu.memory_space<vmem>>, vector<16xf32>,
      %scan3A_83 = arith.constant 0 : i32
      scf.yield %scan3A_83 : i32
    }
    %scan3A_49 = arith.constant 256 : i32
    %scan3A_50 = arith.constant 0 : i32
    %scan3A_51 = arith.constant 0 : i32
    %scan3A_52 = arith.constant 256 : i32
    %scan3A_53 = arith.addi %scan3A_51, %scan3A_52 : i32
    %scan3A_54 = arith.constant 1 : i32
    %scan3A_55 = scf.for %scan3A_68 = %scan3A_51 to %scan3A_53 step %scan3A_54 iter_args(%scan3A_69 = %scan3A_50) -> (i32)  : i32 {
      %mul3A_70 = arith.constant 16 : i32
      %mul3A_71 = arith.muli %scan3A_68, %mul3A_70 : i32
      %get3A = arith.index_cast %mul3A_71 : i32 to index
      %get3A_72 = tpu.vector_load %arg9[%get3A] {strides = array<i32>} : memref<4096xf32, #tpu.memory_space<vmem>>, vector<16xf32>,
      %bitcast3A = vector.bitcast %get3A_72 : vector<16xf32> to vector<16xi32>
      %add3A_73 = arith.constant 32767 : i32
      %add3A_74 = vector.broadcast %add3A_73 : i32 to vector<16xi32>
      %add3A_75 = arith.addi %bitcast3A, %add3A_74 : vector<16xi32>
      %shift_right_logical3A = arith.constant 16 : i32
      %shift_right_logical3A_76 = vector.broadcast %shift_right_logical3A : i32 to vector<16xi32>
      %shift_right_logical3A_77 = arith.shrui %bitcast3A, %shift_right_logical3A_76 : vector<16xi32>
      %and3A_78 = arith.constant 1 : i32
      %and3A_79 = vector.broadcast %and3A_78 : i32 to vector<16xi32>
      %and3A_80 = arith.andi %shift_right_logical3A_77, %and3A_79 : vector<16xi32>
      %add3A_81 = arith.addi %add3A_75, %and3A_80 : vector<16xi32>
      %and3A_82 = arith.constant -65536 : i32
      %and3A_83 = vector.broadcast %and3A_82 : i32 to vector<16xi32>
      %and3A_84 = arith.andi %add3A_81, %and3A_83 : vector<16xi32>
      %bitcast3A_85 = vector.bitcast %and3A_84 : vector<16xi32> to vector<16xf32>
      %swap3A = arith.index_cast %mul3A_71 : i32 to index
      %swap3A_86 = tpu.vector_load %arg9[%swap3A] {strides = array<i32>} : memref<4096xf32, #tpu.memory_space<vmem>>, vector<16xf32>,
      tpu.vector_store %arg9[%swap3A], %bitcast3A_85 {strides = array<i32>} : memref<4096xf32, #tpu.memory_space<vmem>>, vector<16xf32>,
      %get3A_87 = arith.index_cast %mul3A_71 : i32 to index
      %get3A_88 = tpu.vector_load %arg10[%get3A_87] {strides = array<i32>} : memref<4096xf32, #tpu.memory_space<vmem>>, vector<16xf32>,
      %bitcast3A_89 = vector.bitcast %get3A_88 : vector<16xf32> to vector<16xi32>
      %add3A_90 = arith.constant 32767 : i32
      %add3A_91 = vector.broadcast %add3A_90 : i32 to vector<16xi32>
      %add3A_92 = arith.addi %bitcast3A_89, %add3A_91 : vector<16xi32>
      %shift_right_logical3A_93 = arith.constant 16 : i32
      %shift_right_logical3A_94 = vector.broadcast %shift_right_logical3A_93 : i32 to vector<16xi32>
      %shift_right_logical3A_95 = arith.shrui %bitcast3A_89, %shift_right_logical3A_94 : vector<16xi32>
      %and3A_96 = arith.constant 1 : i32
      %and3A_97 = vector.broadcast %and3A_96 : i32 to vector<16xi32>
      %and3A_98 = arith.andi %shift_right_logical3A_95, %and3A_97 : vector<16xi32>
      %add3A_99 = arith.addi %add3A_92, %and3A_98 : vector<16xi32>
      %and3A_100 = arith.constant -65536 : i32
      %and3A_101 = vector.broadcast %and3A_100 : i32 to vector<16xi32>
      %and3A_102 = arith.andi %add3A_99, %and3A_101 : vector<16xi32>
      %bitcast3A_103 = vector.bitcast %and3A_102 : vector<16xi32> to vector<16xf32>
      %swap3A_104 = arith.index_cast %mul3A_71 : i32 to index
      %swap3A_105 = tpu.vector_load %arg10[%swap3A_104] {strides = array<i32>} : memref<4096xf32, #tpu.memory_space<vmem>>, vector<16xf32>,
      tpu.vector_store %arg10[%swap3A_104], %bitcast3A_103 {strides = array<i32>} : memref<4096xf32, #tpu.memory_space<vmem>>, vector<16xf32>,
      %get3A_106 = arith.index_cast %mul3A_71 : i32 to index
      %get3A_107 = tpu.vector_load %arg11[%get3A_106] {strides = array<i32>} : memref<4096xf32, #tpu.memory_space<vmem>>, vector<16xf32>,
      %bitcast3A_108 = vector.bitcast %get3A_107 : vector<16xf32> to vector<16xi32>
      %add3A_109 = arith.constant 32767 : i32
      %add3A_110 = vector.broadcast %add3A_109 : i32 to vector<16xi32>
      %add3A_111 = arith.addi %bitcast3A_108, %add3A_110 : vector<16xi32>
      %shift_right_logical3A_112 = arith.constant 16 : i32
      %shift_right_logical3A_113 = vector.broadcast %shift_right_logical3A_112 : i32 to vector<16xi32>
      %shift_right_logical3A_114 = arith.shrui %bitcast3A_108, %shift_right_logical3A_113 : vector<16xi32>
      %and3A_115 = arith.constant 1 : i32
      %and3A_116 = vector.broadcast %and3A_115 : i32 to vector<16xi32>
      %and3A_117 = arith.andi %shift_right_logical3A_114, %and3A_116 : vector<16xi32>
      %add3A_118 = arith.addi %add3A_111, %and3A_117 : vector<16xi32>
      %and3A_119 = arith.constant -65536 : i32
      %and3A_120 = vector.broadcast %and3A_119 : i32 to vector<16xi32>
      %and3A_121 = arith.andi %add3A_118, %and3A_120 : vector<16xi32>
      %bitcast3A_122 = vector.bitcast %and3A_121 : vector<16xi32> to vector<16xf32>
      %swap3A_123 = arith.index_cast %mul3A_71 : i32 to index
      %swap3A_124 = tpu.vector_load %arg11[%swap3A_123] {strides = array<i32>} : memref<4096xf32, #tpu.memory_space<vmem>>, vector<16xf32>,
      tpu.vector_store %arg11[%swap3A_123], %bitcast3A_122 {strides = array<i32>} : memref<4096xf32, #tpu.memory_space<vmem>>, vector<16xf32>,
      %scan3A_125 = arith.constant 0 : i32
      scf.yield %scan3A_125 : i32
    }
    %scan3A_56 = arith.constant 256 : i32
    %scan3A_57 = arith.constant 0 : i32
    %scan3A_58 = arith.constant 0 : i32
    %scan3A_59 = arith.constant 256 : i32
    %scan3A_60 = arith.addi %scan3A_58, %scan3A_59 : i32
    %scan3A_61 = arith.constant 1 : i32
    %scan3A_62 = scf.for %scan3A_68 = %scan3A_58 to %scan3A_60 step %scan3A_61 iter_args(%scan3A_69 = %scan3A_57) -> (i32)  : i32 {
      %get3A = arith.index_cast %scan3A_68 : i32 to index
      %get3A_70 = tpu.vector_load %arg13[%get3A] {strides = array<i32>} : memref<272xf32, #tpu.memory_space<vmem>>, vector<16xf32>,
      %get3A_71 = arith.index_cast %scan3A_68 : i32 to index
      %get3A_72 = tpu.vector_load %arg14[%get3A_71] {strides = array<i32>} : memref<272xf32, #tpu.memory_space<vmem>>, vector<16xf32>,
      %get3A_73 = arith.index_cast %scan3A_68 : i32 to index
      %get3A_74 = tpu.vector_load %arg15[%get3A_73] {strides = array<i32>} : memref<272xf32, #tpu.memory_space<vmem>>, vector<16xf32>,
      %slice3A = vector.extract_strided_slice %get3A_70 {offsets = [0], sizes = [1], strides = [1]} : vector<16xf32> to vector<1xf32>
      %squeeze3A = vector.extract %slice3A[0] : f32 from vector<1xf32>
      %slice3A_75 = vector.extract_strided_slice %get3A_72 {offsets = [0], sizes = [1], strides = [1]} : vector<16xf32> to vector<1xf32>
      %squeeze3A_76 = vector.extract %slice3A_75[0] : f32 from vector<1xf32>
      %slice3A_77 = vector.extract_strided_slice %get3A_74 {offsets = [0], sizes = [1], strides = [1]} : vector<16xf32> to vector<1xf32>
      %squeeze3A_78 = vector.extract %slice3A_77[0] : f32 from vector<1xf32>
      %bitcast3A = vector.bitcast %get3A_70 : vector<16xf32> to vector<16xi32>
      %add3A_79 = arith.constant 32767 : i32
      %add3A_80 = vector.broadcast %add3A_79 : i32 to vector<16xi32>
      %add3A_81 = arith.addi %bitcast3A, %add3A_80 : vector<16xi32>
      %shift_right_logical3A = arith.constant 16 : i32
      %shift_right_logical3A_82 = vector.broadcast %shift_right_logical3A : i32 to vector<16xi32>
      %shift_right_logical3A_83 = arith.shrui %bitcast3A, %shift_right_logical3A_82 : vector<16xi32>
      %and3A_84 = arith.constant 1 : i32
      %and3A_85 = vector.broadcast %and3A_84 : i32 to vector<16xi32>
      %and3A_86 = arith.andi %shift_right_logical3A_83, %and3A_85 : vector<16xi32>
      %add3A_87 = arith.addi %add3A_81, %and3A_86 : vector<16xi32>
      %and3A_88 = arith.constant -65536 : i32
      %and3A_89 = vector.broadcast %and3A_88 : i32 to vector<16xi32>
      %and3A_90 = arith.andi %add3A_87, %and3A_89 : vector<16xi32>
      %bitcast3A_91 = vector.bitcast %and3A_90 : vector<16xi32> to vector<16xf32>
      %slice3A_92 = vector.extract_strided_slice %bitcast3A_91 {offsets = [0], sizes = [1], strides = [1]} : vector<16xf32> to vector<1xf32>
      %squeeze3A_93 = vector.extract %slice3A_92[0] : f32 from vector<1xf32>
      %bitcast3A_94 = vector.bitcast %get3A_72 : vector<16xf32> to vector<16xi32>
      %add3A_95 = arith.constant 32767 : i32
      %add3A_96 = vector.broadcast %add3A_95 : i32 to vector<16xi32>
      %add3A_97 = arith.addi %bitcast3A_94, %add3A_96 : vector<16xi32>
      %shift_right_logical3A_98 = arith.constant 16 : i32
      %shift_right_logical3A_99 = vector.broadcast %shift_right_logical3A_98 : i32 to vector<16xi32>
      %shift_right_logical3A_100 = arith.shrui %bitcast3A_94, %shift_right_logical3A_99 : vector<16xi32>
      %and3A_101 = arith.constant 1 : i32
      %and3A_102 = vector.broadcast %and3A_101 : i32 to vector<16xi32>
      %and3A_103 = arith.andi %shift_right_logical3A_100, %and3A_102 : vector<16xi32>
      %add3A_104 = arith.addi %add3A_97, %and3A_103 : vector<16xi32>
      %and3A_105 = arith.constant -65536 : i32
      %and3A_106 = vector.broadcast %and3A_105 : i32 to vector<16xi32>
      %and3A_107 = arith.andi %add3A_104, %and3A_106 : vector<16xi32>
      %bitcast3A_108 = vector.bitcast %and3A_107 : vector<16xi32> to vector<16xf32>
      %slice3A_109 = vector.extract_strided_slice %bitcast3A_108 {offsets = [0], sizes = [1], strides = [1]} : vector<16xf32> to vector<1xf32>
      %squeeze3A_110 = vector.extract %slice3A_109[0] : f32 from vector<1xf32>
      %bitcast3A_111 = vector.bitcast %get3A_74 : vector<16xf32> to vector<16xi32>
      %add3A_112 = arith.constant 32767 : i32
      %add3A_113 = vector.broadcast %add3A_112 : i32 to vector<16xi32>
      %add3A_114 = arith.addi %bitcast3A_111, %add3A_113 : vector<16xi32>
      %shift_right_logical3A_115 = arith.constant 16 : i32
      %shift_right_logical3A_116 = vector.broadcast %shift_right_logical3A_115 : i32 to vector<16xi32>
      %shift_right_logical3A_117 = arith.shrui %bitcast3A_111, %shift_right_logical3A_116 : vector<16xi32>
      %and3A_118 = arith.constant 1 : i32
      %and3A_119 = vector.broadcast %and3A_118 : i32 to vector<16xi32>
      %and3A_120 = arith.andi %shift_right_logical3A_117, %and3A_119 : vector<16xi32>
      %add3A_121 = arith.addi %add3A_114, %and3A_120 : vector<16xi32>
      %and3A_122 = arith.constant -65536 : i32
      %and3A_123 = vector.broadcast %and3A_122 : i32 to vector<16xi32>
      %and3A_124 = arith.andi %add3A_121, %and3A_123 : vector<16xi32>
      %bitcast3A_125 = vector.bitcast %and3A_124 : vector<16xi32> to vector<16xf32>
      %slice3A_126 = vector.extract_strided_slice %bitcast3A_125 {offsets = [0], sizes = [1], strides = [1]} : vector<16xf32> to vector<1xf32>
      %squeeze3A_127 = vector.extract %slice3A_126[0] : f32 from vector<1xf32>
      %mul3A_128 = arith.mulf %squeeze3A, %squeeze3A : f32
      %mul3A_129 = arith.mulf %squeeze3A_76, %squeeze3A_76 : f32
      %add3A_130 = arith.addf %mul3A_128, %mul3A_129 : f32
      %mul3A_131 = arith.mulf %squeeze3A_78, %squeeze3A_78 : f32
      %add3A_132 = arith.addf %add3A_130, %mul3A_131 : f32
      %scan3A_133 = arith.constant 0 : i32
      %scan3A_134 = arith.constant 0 : i32
      %scan3A_135 = arith.constant 16 : i32
      %scan3A_136 = arith.addi %scan3A_134, %scan3A_135 : i32
      %scan3A_137 = arith.constant 1 : i32
      %scan3A_138 = scf.for %scan3A_179 = %scan3A_134 to %scan3A_136 step %scan3A_137 iter_args(%scan3A_180 = %scan3A_133) -> (i32)  : i32 {
        %lt3A_181 = arith.constant 32 : i32
        %lt3A_182 = arith.cmpi slt, %scan3A_180, %lt3A_181 : i32
        %convert_element_type3A = arith.extui %lt3A_182 : i1 to i32
        %cond3A = arith.constant 0 : i32
        %cond3A_183 = arith.cmpi ne, %convert_element_type3A, %cond3A : i32
        %cond3A_184 = scf.if %cond3A_183 -> (i32) {
          %mul3A_185 = arith.constant 16 : i32
          %mul3A_186 = arith.muli %scan3A_179, %mul3A_185 : i32
          %add3A_187 = arith.constant 1 : i32
          %add3A_188 = arith.addi %scan3A_179, %add3A_187 : i32
          %mul3A_189 = arith.constant 16 : i32
          %mul3A_190 = arith.muli %add3A_188, %mul3A_189 : i32
          %while3A = arith.subi %mul3A_190, %mul3A_186 : i32
          %while3A_191 = arith.addi %mul3A_186, %while3A : i32
          %while3A_192 = arith.constant 1 : i32
          %while3A_193 = arith.divsi %while3A, %while3A_192 : i32
          %while3A_194 = arith.muli %while3A_193, %while3A_192 : i32
          %while3A_195 = arith.addi %mul3A_186, %while3A_194 : i32
          %while3A_196 = arith.constant 1 : i32
          %while3A_197 = scf.for %while3A_200 = %mul3A_186 to %while3A_195 step %while3A_196 iter_args(%while3A_201 = %scan3A_180) -> (i32)  : i32 {
            %mul3A_202 = arith.constant 16 : i32
            %mul3A_203 = arith.muli %while3A_200, %mul3A_202 : i32
            %get3A_204 = arith.index_cast %mul3A_203 : i32 to index
            %get3A_205 = tpu.vector_load %arg9[%get3A_204] {strides = array<i32>} : memref<4096xf32, #tpu.memory_space<vmem>>, vector<16xf32>,
            %get3A_206 = arith.index_cast %mul3A_203 : i32 to index
            %get3A_207 = tpu.vector_load %arg10[%get3A_206] {strides = array<i32>} : memref<4096xf32, #tpu.memory_space<vmem>>, vector<16xf32>,
            %get3A_208 = arith.index_cast %mul3A_203 : i32 to index
            %get3A_209 = tpu.vector_load %arg11[%get3A_208] {strides = array<i32>} : memref<4096xf32, #tpu.memory_space<vmem>>, vector<16xf32>,
            %get3A_210 = arith.index_cast %mul3A_203 : i32 to index
            %get3A_211 = tpu.vector_load %arg12[%get3A_210] {strides = array<i32>} : memref<4096xf32, #tpu.memory_space<vmem>>, vector<16xf32>,
            %mul3A_212 = vector.broadcast %squeeze3A_93 : f32 to vector<16xf32>
            %mul3A_213 = arith.mulf %get3A_205, %mul3A_212 : vector<16xf32>
            %mul3A_214 = vector.broadcast %squeeze3A_110 : f32 to vector<16xf32>
            %mul3A_215 = arith.mulf %get3A_207, %mul3A_214 : vector<16xf32>
            %add3A_216 = arith.addf %mul3A_213, %mul3A_215 : vector<16xf32>
            %mul3A_217 = vector.broadcast %squeeze3A_127 : f32 to vector<16xf32>
            %mul3A_218 = arith.mulf %get3A_209, %mul3A_217 : vector<16xf32>
            %add3A_219 = arith.addf %add3A_216, %mul3A_218 : vector<16xf32>
            %add3A_220 = vector.broadcast %add3A_132 : f32 to vector<16xf32>
            %add3A_221 = arith.addf %add3A_220, %get3A_211 : vector<16xf32>
            %mul3A_222 = arith.constant 2.000000e+00 : f32
            %mul3A_223 = vector.broadcast %mul3A_222 : f32 to vector<16xf32>
            %mul3A_224 = arith.mulf %mul3A_223, %add3A_219 : vector<16xf32>
            %sub3A_225 = arith.subf %add3A_221, %mul3A_224 : vector<16xf32>
            %lt3A_226 = arith.constant 4.000000e-02 : f32
            %lt3A_227 = vector.broadcast %lt3A_226 : f32 to vector<16xf32>
            %lt3A_228 = arith.cmpf olt, %sub3A_225, %lt3A_227 : vector<16xf32>
            %add3A_229 = arith.addi %mul3A_43, %mul3A_203 : i32
            %add3A_230 = vector.broadcast %add3A_229 : i32 to vector<16xi32>
            %add3A_231 = arith.addi %add3A_230, %iota3A : vector<16xi32>
            %mul3A_232 = arith.constant 32 : i32
            %mul3A_233 = arith.muli %scan3A_68, %mul3A_232 : i32
            %add3A_234 = arith.addi %mul3A_233, %while3A_201 : i32
            %swap3A = arith.index_cast %add3A_234 : i32 to index
            %swap3A_235 = tpu.vector_load %arg16[%swap3A] masked %lt3A_228 {strides = array<i32>} : memref<8480xi32, #tpu.memory_space<vmem>>, vector<16xi32>, vector<16xi1>
            tpu.vector_store %arg16[%swap3A], %add3A_231 masked %lt3A_228 {strides = array<i32>} : memref<8480xi32, #tpu.memory_space<vmem>>, vector<16xi32>, vector<16xi1>
            %all_reduce_population_count3A = tpu.all_reduce %lt3A_228 {dim = 0 : i64, kind = #tpu.reduction_kind<sum>} : vector<16xi1> -> vector<16xi32>
            %slice3A_236 = vector.extract_strided_slice %all_reduce_population_count3A {offsets = [0], sizes = [1], strides = [1]} : vector<16xi32> to vector<1xi32>
            %squeeze3A_237 = vector.extract %slice3A_236[0] : i32 from vector<1xi32>
            %add3A_238 = arith.addi %while3A_201, %squeeze3A_237 : i32
            scf.yield %add3A_238 : i32
          }
          %while3A_198 = arith.constant 1 : i32
          %while3A_199 = scf.for %while3A_200 = %while3A_195 to %while3A_191 step %while3A_198 iter_args(%while3A_201 = %while3A_197) -> (i32)  : i32 {
            %mul3A_202 = arith.constant 16 : i32
            %mul3A_203 = arith.muli %while3A_200, %mul3A_202 : i32
            %get3A_204 = arith.index_cast %mul3A_203 : i32 to index
            %get3A_205 = tpu.vector_load %arg9[%get3A_204] {strides = array<i32>} : memref<4096xf32, #tpu.memory_space<vmem>>, vector<16xf32>,
            %get3A_206 = arith.index_cast %mul3A_203 : i32 to index
            %get3A_207 = tpu.vector_load %arg10[%get3A_206] {strides = array<i32>} : memref<4096xf32, #tpu.memory_space<vmem>>, vector<16xf32>,
            %get3A_208 = arith.index_cast %mul3A_203 : i32 to index
            %get3A_209 = tpu.vector_load %arg11[%get3A_208] {strides = array<i32>} : memref<4096xf32, #tpu.memory_space<vmem>>, vector<16xf32>,
            %get3A_210 = arith.index_cast %mul3A_203 : i32 to index
            %get3A_211 = tpu.vector_load %arg12[%get3A_210] {strides = array<i32>} : memref<4096xf32, #tpu.memory_space<vmem>>, vector<16xf32>,
            %mul3A_212 = vector.broadcast %squeeze3A_93 : f32 to vector<16xf32>
            %mul3A_213 = arith.mulf %get3A_205, %mul3A_212 : vector<16xf32>
            %mul3A_214 = vector.broadcast %squeeze3A_110 : f32 to vector<16xf32>
            %mul3A_215 = arith.mulf %get3A_207, %mul3A_214 : vector<16xf32>
            %add3A_216 = arith.addf %mul3A_213, %mul3A_215 : vector<16xf32>
            %mul3A_217 = vector.broadcast %squeeze3A_127 : f32 to vector<16xf32>
            %mul3A_218 = arith.mulf %get3A_209, %mul3A_217 : vector<16xf32>
            %add3A_219 = arith.addf %add3A_216, %mul3A_218 : vector<16xf32>
            %add3A_220 = vector.broadcast %add3A_132 : f32 to vector<16xf32>
            %add3A_221 = arith.addf %add3A_220, %get3A_211 : vector<16xf32>
            %mul3A_222 = arith.constant 2.000000e+00 : f32
            %mul3A_223 = vector.broadcast %mul3A_222 : f32 to vector<16xf32>
            %mul3A_224 = arith.mulf %mul3A_223, %add3A_219 : vector<16xf32>
            %sub3A_225 = arith.subf %add3A_221, %mul3A_224 : vector<16xf32>
            %lt3A_226 = arith.constant 4.000000e-02 : f32
            %lt3A_227 = vector.broadcast %lt3A_226 : f32 to vector<16xf32>
            %lt3A_228 = arith.cmpf olt, %sub3A_225, %lt3A_227 : vector<16xf32>
            %add3A_229 = arith.addi %mul3A_43, %mul3A_203 : i32
            %add3A_230 = vector.broadcast %add3A_229 : i32 to vector<16xi32>
            %add3A_231 = arith.addi %add3A_230, %iota3A : vector<16xi32>
            %mul3A_232 = arith.constant 32 : i32
            %mul3A_233 = arith.muli %scan3A_68, %mul3A_232 : i32
            %add3A_234 = arith.addi %mul3A_233, %while3A_201 : i32
            %swap3A = arith.index_cast %add3A_234 : i32 to index
            %swap3A_235 = tpu.vector_load %arg16[%swap3A] masked %lt3A_228 {strides = array<i32>} : memref<8480xi32, #tpu.memory_space<vmem>>, vector<16xi32>, vector<16xi1>
            tpu.vector_store %arg16[%swap3A], %add3A_231 masked %lt3A_228 {strides = array<i32>} : memref<8480xi32, #tpu.memory_space<vmem>>, vector<16xi32>, vector<16xi1>
            %all_reduce_population_count3A = tpu.all_reduce %lt3A_228 {dim = 0 : i64, kind = #tpu.reduction_kind<sum>} : vector<16xi1> -> vector<16xi32>
            %slice3A_236 = vector.extract_strided_slice %all_reduce_population_count3A {offsets = [0], sizes = [1], strides = [1]} : vector<16xi32> to vector<1xi32>
            %squeeze3A_237 = vector.extract %slice3A_236[0] : i32 from vector<1xi32>
            %add3A_238 = arith.addi %while3A_201, %squeeze3A_237 : i32
            scf.yield %add3A_238 : i32
          }
          scf.yield %while3A_199 : i32
        } else {
          scf.yield %scan3A_180 : i32
        }
        scf.yield %cond3A_184 : i32
      }
      %scan3A_139 = arith.constant 16 : i32
      %mul3A_140 = arith.constant 32 : i32
      %mul3A_141 = arith.muli %scan3A_68, %mul3A_140 : i32
      %get3A_142 = arith.index_cast %mul3A_141 : i32 to index
      %get3A_143 = tpu.vector_load %arg16[%get3A_142] {strides = array<i32>} : memref<8480xi32, #tpu.memory_space<vmem>>, vector<16xi32>,
      %slice3A_144 = vector.extract_strided_slice %get3A_143 {offsets = [0], sizes = [1], strides = [1]} : vector<16xi32> to vector<1xi32>
      %squeeze3A_145 = vector.extract %slice3A_144[0] : i32 from vector<1xi32>
      %gt3A = arith.constant 0 : i32
      %gt3A_146 = arith.cmpi sgt, %scan3A_138, %gt3A : i32
      %select_n3A_147 = arith.select %gt3A_146, %squeeze3A_145, %mul3A_43 : i32
      %add3A_148 = arith.constant 0 : i32
      %add3A_149 = vector.broadcast %add3A_148 : i32 to vector<16xi32>
      %add3A_150 = arith.addi %iota3A, %add3A_149 : vector<16xi32>
      %mul3A_151 = arith.constant 32 : i32
      %mul3A_152 = arith.muli %scan3A_68, %mul3A_151 : i32
      %add3A_153 = vector.broadcast %mul3A_152 : i32 to vector<16xi32>
      %add3A_154 = arith.addi %add3A_153, %add3A_150 : vector<16xi32>
      %gather3A = tpu.vector_load_idx %arg16[%add3A_154] : memref<8480xi32, #tpu.memory_space<vmem>>[vector<16xi32>], vector<16xi32>,
      %lt3A_155 = vector.broadcast %scan3A_138 : i32 to vector<16xi32>
      %lt3A_156 = arith.cmpi slt, %add3A_150, %lt3A_155 : vector<16xi32>
      %broadcast_in_dim3A = vector.broadcast %select_n3A_147 : i32 to vector<16xi32>
      %select_n3A_157 = arith.select %lt3A_156, %gather3A, %broadcast_in_dim3A : vector<16xi1>, vector<16xi32>
      %mul3A_158 = arith.constant 32 : i32
      %mul3A_159 = arith.muli %scan3A_68, %mul3A_158 : i32
      %add3A_160 = vector.broadcast %mul3A_159 : i32 to vector<16xi32>
      %add3A_161 = arith.addi %add3A_160, %add3A_150 : vector<16xi32>
      tpu.vector_store_idx %arg16[%add3A_161], %select_n3A_157 : memref<8480xi32, #tpu.memory_space<vmem>>[vector<16xi32>], vector<16xi32>,
      %add3A_162 = arith.constant 16 : i32
      %add3A_163 = vector.broadcast %add3A_162 : i32 to vector<16xi32>
      %add3A_164 = arith.addi %iota3A, %add3A_163 : vector<16xi32>
      %mul3A_165 = arith.constant 32 : i32
      %mul3A_166 = arith.muli %scan3A_68, %mul3A_165 : i32
      %add3A_167 = vector.broadcast %mul3A_166 : i32 to vector<16xi32>
      %add3A_168 = arith.addi %add3A_167, %add3A_164 : vector<16xi32>
      %gather3A_169 = tpu.vector_load_idx %arg16[%add3A_168] : memref<8480xi32, #tpu.memory_space<vmem>>[vector<16xi32>], vector<16xi32>,
      %lt3A_170 = vector.broadcast %scan3A_138 : i32 to vector<16xi32>
      %lt3A_171 = arith.cmpi slt, %add3A_164, %lt3A_170 : vector<16xi32>
      %broadcast_in_dim3A_172 = vector.broadcast %select_n3A_147 : i32 to vector<16xi32>
      %select_n3A_173 = arith.select %lt3A_171, %gather3A_169, %broadcast_in_dim3A_172 : vector<16xi1>, vector<16xi32>
      %mul3A_174 = arith.constant 32 : i32
      %mul3A_175 = arith.muli %scan3A_68, %mul3A_174 : i32
      %add3A_176 = vector.broadcast %mul3A_175 : i32 to vector<16xi32>
      %add3A_177 = arith.addi %add3A_176, %add3A_164 : vector<16xi32>
      tpu.vector_store_idx %arg16[%add3A_177], %select_n3A_173 : memref<8480xi32, #tpu.memory_space<vmem>>[vector<16xi32>], vector<16xi32>,
      %scan3A_178 = arith.constant 0 : i32
      scf.yield %scan3A_178 : i32
    }
    %scan3A_63 = arith.constant 256 : i32
    %mul3A_64 = arith.constant 256 : i32
    %mul3A_65 = arith.muli %add3A, %mul3A_64 : i32
    %mul3A_66 = arith.constant 32 : i32
    %mul3A_67 = arith.muli %mul3A_65, %mul3A_66 : i32
    "tpu.region"() ({
      %run_scoped3A = tpu.sem_alloc : memref<!tpu.dma_semaphore, #tpu.memory_space<semaphore_mem>>
      %dma_start3A = arith.constant 0 : i32
      %dma_start3A_68 = tpu.memref_slice %arg16[%dma_start3A] : memref<8480xi32, #tpu.memory_space<vmem>> -> memref<8192xi32, #tpu.memory_space<vmem>>
      %dma_start3A_69 = tpu.memref_slice %arg8[%mul3A_67] : memref<262144xi32, #tpu.memory_space<hbm>> -> memref<8192xi32, #tpu.memory_space<hbm>>
      %dma_start3A_70 = tpu.memref_slice %arg8[%mul3A_67] : memref<262144xi32, #tpu.memory_space<hbm>> -> memref<8192xi32, #tpu.memory_space<hbm>>
      %dma_start3A_71 = arith.constant 0 : i32
      %dma_start3A_72 = tpu.memref_slice %arg16[%dma_start3A_71] : memref<8480xi32, #tpu.memory_space<vmem>> -> memref<8192xi32, #tpu.memory_space<vmem>>
      tpu.enqueue_dma source(%dma_start3A_72 : memref<8192xi32, #tpu.memory_space<vmem>>) target(%dma_start3A_70 : memref<8192xi32, #tpu.memory_space<hbm>>) target_semaphore(%run_scoped3A : memref<!tpu.dma_semaphore, #tpu.memory_space<semaphore_mem>>)
      %dma_wait3A = arith.constant 0 : i32
      %dma_wait3A_73 = tpu.memref_slice %arg16[%dma_wait3A] : memref<8480xi32, #tpu.memory_space<vmem>> -> memref<8192xi32, #tpu.memory_space<vmem>>
      %dma_wait3A_74 = tpu.memref_slice %arg8[%mul3A_67] : memref<262144xi32, #tpu.memory_space<hbm>> -> memref<8192xi32, #tpu.memory_space<hbm>>
      %dma_wait3A_75 = tpu.memref_slice %arg8[%mul3A_67] : memref<262144xi32, #tpu.memory_space<hbm>> -> memref<8192xi32, #tpu.memory_space<hbm>>
      %dma_wait3A_76 = arith.constant 0 : i32
      %dma_wait3A_77 = tpu.memref_slice %arg16[%dma_wait3A_76] : memref<8480xi32, #tpu.memory_space<vmem>> -> memref<8192xi32, #tpu.memory_space<vmem>>
      tpu.wait_dma2 semaphore(%run_scoped3A : memref<!tpu.dma_semaphore, #tpu.memory_space<semaphore_mem>>) src(%dma_wait3A_77 : memref<8192xi32, #tpu.memory_space<vmem>>) dst(%dma_wait3A_75 : memref<8192xi32, #tpu.memory_space<hbm>>)
      tpu.yield
    }) : () -> ()
    return
  }
}

module attributes {stable_mosaic.version = 14 : i64} {
  func.func @_fps_body(%arg0: memref<8x4096xf32, #tpu.memory_space<vmem>>, %arg1: memref<8x4096xf32, #tpu.memory_space<vmem>>, %arg2: memref<8x4096xf32, #tpu.memory_space<vmem>>, %arg3: memref<8x1024xf32, #tpu.memory_space<vmem>>, %arg4: memref<8x1024xf32, #tpu.memory_space<vmem>>, %arg5: memref<8x1024xf32, #tpu.memory_space<vmem>>, %arg6: memref<8x4096xf32, #tpu.memory_space<vmem>>) attributes {dimension_semantics = [], scalar_prefetch = 0 : i64, scratch_operands = 1 : i64, tpu.core_type = #tpu.core_type<tc>} {
    %iota3A = tpu.iota {dimensions = array<i32: 1>} : vector<8x4096xi32>
    %iota3A_0 = tpu.iota {dimensions = array<i32: 1>} : vector<8x1024xi32>
    %get3A = arith.constant 0 : index
    %get3A_1 = arith.constant 0 : index
    %get3A_2 = vector.load %arg0[%get3A, %get3A_1] : memref<8x4096xf32, #tpu.memory_space<vmem>>, vector<8x4096xf32>
    %get3A_3 = arith.constant 0 : index
    %get3A_4 = arith.constant 0 : index
    %get3A_5 = vector.load %arg1[%get3A_3, %get3A_4] : memref<8x4096xf32, #tpu.memory_space<vmem>>, vector<8x4096xf32>
    %get3A_6 = arith.constant 0 : index
    %get3A_7 = arith.constant 0 : index
    %get3A_8 = vector.load %arg2[%get3A_6, %get3A_7] : memref<8x4096xf32, #tpu.memory_space<vmem>>, vector<8x4096xf32>
    %broadcast_in_dim3A = arith.constant 1.000000e+10 : f32
    %broadcast_in_dim3A_9 = vector.broadcast %broadcast_in_dim3A : f32 to vector<8x4096xf32>
    %swap3A = arith.constant 0 : index
    %swap3A_10 = arith.constant 0 : index
    %swap3A_11 = vector.load %arg6[%swap3A, %swap3A_10] : memref<8x4096xf32, #tpu.memory_space<vmem>>, vector<8x4096xf32>
    tpu.vector_store %arg6[%swap3A, %swap3A_10], %broadcast_in_dim3A_9 {strides = array<i32>} : memref<8x4096xf32, #tpu.memory_space<vmem>>, vector<8x4096xf32>,
    %broadcast_in_dim3A_12 = arith.constant 0 : i32
    %broadcast_in_dim3A_13 = vector.broadcast %broadcast_in_dim3A_12 : i32 to vector<8x1xi32>
    %scan3A = arith.constant 0 : i32
    %scan3A_14 = arith.constant 1024 : i32
    %scan3A_15 = arith.addi %scan3A, %scan3A_14 : i32
    %scan3A_16 = arith.constant 1 : i32
    %scan3A_17 = scf.for %scan3A_19 = %scan3A to %scan3A_15 step %scan3A_16 iter_args(%scan3A_20 = %broadcast_in_dim3A_13) -> (vector<8x1xi32>)  : i32 {
      %eq3A = vector.broadcast %scan3A_20 : vector<8x1xi32> to vector<8x4096xi32>
      %eq3A_21 = arith.cmpi eq, %iota3A, %eq3A : vector<8x4096xi32>
      %jit3A = arith.constant 0.000000e+00 : f32
      %broadcast_in_dim3A_22 = vector.broadcast %jit3A : f32 to vector<8x4096xf32>
      %select_n3A = arith.select %eq3A_21, %get3A_2, %broadcast_in_dim3A_22 : vector<8x4096xi1>, vector<8x4096xf32>
      %reduce_sum3A = arith.constant dense<0.000000e+00> : vector<8xf32>
      %reduce_sum3A_23 = vector.multi_reduction <add>, %select_n3A, %reduce_sum3A [1] : vector<8x4096xf32> to vector<8xf32>
      %broadcast_in_dim3A_24 = vector.shape_cast %reduce_sum3A_23 : vector<8xf32> to vector<8x1xf32>
      %jit3A_25 = arith.constant 0.000000e+00 : f32
      %broadcast_in_dim3A_26 = vector.broadcast %jit3A_25 : f32 to vector<8x4096xf32>
      %select_n3A_27 = arith.select %eq3A_21, %get3A_5, %broadcast_in_dim3A_26 : vector<8x4096xi1>, vector<8x4096xf32>
      %reduce_sum3A_28 = arith.constant dense<0.000000e+00> : vector<8xf32>
      %reduce_sum3A_29 = vector.multi_reduction <add>, %select_n3A_27, %reduce_sum3A_28 [1] : vector<8x4096xf32> to vector<8xf32>
      %broadcast_in_dim3A_30 = vector.shape_cast %reduce_sum3A_29 : vector<8xf32> to vector<8x1xf32>
      %jit3A_31 = arith.constant 0.000000e+00 : f32
      %broadcast_in_dim3A_32 = vector.broadcast %jit3A_31 : f32 to vector<8x4096xf32>
      %select_n3A_33 = arith.select %eq3A_21, %get3A_8, %broadcast_in_dim3A_32 : vector<8x4096xi1>, vector<8x4096xf32>
      %reduce_sum3A_34 = arith.constant dense<0.000000e+00> : vector<8xf32>
      %reduce_sum3A_35 = vector.multi_reduction <add>, %select_n3A_33, %reduce_sum3A_34 [1] : vector<8x4096xf32> to vector<8xf32>
      %broadcast_in_dim3A_36 = vector.shape_cast %reduce_sum3A_35 : vector<8xf32> to vector<8x1xf32>
      %eq3A_37 = vector.broadcast %scan3A_19 : i32 to vector<8x1024xi32>
      %eq3A_38 = arith.cmpi eq, %iota3A_0, %eq3A_37 : vector<8x1024xi32>
      %get3A_39 = arith.constant 0 : index
      %get3A_40 = arith.constant 0 : index
      %get3A_41 = vector.load %arg3[%get3A_39, %get3A_40] : memref<8x1024xf32, #tpu.memory_space<vmem>>, vector<8x1024xf32>
      %broadcast_in_dim3A_42 = vector.shape_cast %broadcast_in_dim3A_24 : vector<8x1xf32> to vector<8x1xf32>
      %broadcast_in_dim3A_43 = vector.broadcast %broadcast_in_dim3A_42 : vector<8x1xf32> to vector<8x1024xf32>
      %select_n3A_44 = arith.select %eq3A_38, %broadcast_in_dim3A_43, %get3A_41 : vector<8x1024xi1>, vector<8x1024xf32>
      %swap3A_45 = arith.constant 0 : index
      %swap3A_46 = arith.constant 0 : index
      %swap3A_47 = vector.load %arg3[%swap3A_45, %swap3A_46] : memref<8x1024xf32, #tpu.memory_space<vmem>>, vector<8x1024xf32>
      tpu.vector_store %arg3[%swap3A_45, %swap3A_46], %select_n3A_44 {strides = array<i32>} : memref<8x1024xf32, #tpu.memory_space<vmem>>, vector<8x1024xf32>,
      %get3A_48 = arith.constant 0 : index
      %get3A_49 = arith.constant 0 : index
      %get3A_50 = vector.load %arg4[%get3A_48, %get3A_49] : memref<8x1024xf32, #tpu.memory_space<vmem>>, vector<8x1024xf32>
      %broadcast_in_dim3A_51 = vector.shape_cast %broadcast_in_dim3A_30 : vector<8x1xf32> to vector<8x1xf32>
      %broadcast_in_dim3A_52 = vector.broadcast %broadcast_in_dim3A_51 : vector<8x1xf32> to vector<8x1024xf32>
      %select_n3A_53 = arith.select %eq3A_38, %broadcast_in_dim3A_52, %get3A_50 : vector<8x1024xi1>, vector<8x1024xf32>
      %swap3A_54 = arith.constant 0 : index
      %swap3A_55 = arith.constant 0 : index
      %swap3A_56 = vector.load %arg4[%swap3A_54, %swap3A_55] : memref<8x1024xf32, #tpu.memory_space<vmem>>, vector<8x1024xf32>
      tpu.vector_store %arg4[%swap3A_54, %swap3A_55], %select_n3A_53 {strides = array<i32>} : memref<8x1024xf32, #tpu.memory_space<vmem>>, vector<8x1024xf32>,
      %get3A_57 = arith.constant 0 : index
      %get3A_58 = arith.constant 0 : index
      %get3A_59 = vector.load %arg5[%get3A_57, %get3A_58] : memref<8x1024xf32, #tpu.memory_space<vmem>>, vector<8x1024xf32>
      %broadcast_in_dim3A_60 = vector.shape_cast %broadcast_in_dim3A_36 : vector<8x1xf32> to vector<8x1xf32>
      %broadcast_in_dim3A_61 = vector.broadcast %broadcast_in_dim3A_60 : vector<8x1xf32> to vector<8x1024xf32>
      %select_n3A_62 = arith.select %eq3A_38, %broadcast_in_dim3A_61, %get3A_59 : vector<8x1024xi1>, vector<8x1024xf32>
      %swap3A_63 = arith.constant 0 : index
      %swap3A_64 = arith.constant 0 : index
      %swap3A_65 = vector.load %arg5[%swap3A_63, %swap3A_64] : memref<8x1024xf32, #tpu.memory_space<vmem>>, vector<8x1024xf32>
      tpu.vector_store %arg5[%swap3A_63, %swap3A_64], %select_n3A_62 {strides = array<i32>} : memref<8x1024xf32, #tpu.memory_space<vmem>>, vector<8x1024xf32>,
      %sub3A = vector.broadcast %broadcast_in_dim3A_24 : vector<8x1xf32> to vector<8x4096xf32>
      %sub3A_66 = arith.subf %get3A_2, %sub3A : vector<8x4096xf32>
      %sub3A_67 = vector.broadcast %broadcast_in_dim3A_30 : vector<8x1xf32> to vector<8x4096xf32>
      %sub3A_68 = arith.subf %get3A_5, %sub3A_67 : vector<8x4096xf32>
      %sub3A_69 = vector.broadcast %broadcast_in_dim3A_36 : vector<8x1xf32> to vector<8x4096xf32>
      %sub3A_70 = arith.subf %get3A_8, %sub3A_69 : vector<8x4096xf32>
      %mul3A = arith.mulf %sub3A_66, %sub3A_66 : vector<8x4096xf32>
      %mul3A_71 = arith.mulf %sub3A_68, %sub3A_68 : vector<8x4096xf32>
      %add3A = arith.addf %mul3A, %mul3A_71 : vector<8x4096xf32>
      %mul3A_72 = arith.mulf %sub3A_70, %sub3A_70 : vector<8x4096xf32>
      %add3A_73 = arith.addf %add3A, %mul3A_72 : vector<8x4096xf32>
      %get3A_74 = arith.constant 0 : index
      %get3A_75 = arith.constant 0 : index
      %get3A_76 = vector.load %arg6[%get3A_74, %get3A_75] : memref<8x4096xf32, #tpu.memory_space<vmem>>, vector<8x4096xf32>
      %min3A = arith.minimumf %get3A_76, %add3A_73 : vector<8x4096xf32>
      %swap3A_77 = arith.constant 0 : index
      %swap3A_78 = arith.constant 0 : index
      %swap3A_79 = vector.load %arg6[%swap3A_77, %swap3A_78] : memref<8x4096xf32, #tpu.memory_space<vmem>>, vector<8x4096xf32>
      tpu.vector_store %arg6[%swap3A_77, %swap3A_78], %min3A {strides = array<i32>} : memref<8x4096xf32, #tpu.memory_space<vmem>>, vector<8x4096xf32>,
      %reduce_max3A = arith.constant dense<0xFF800000> : vector<8xf32>
      %reduce_max3A_80 = vector.multi_reduction <maximumf>, %min3A, %reduce_max3A [1] : vector<8x4096xf32> to vector<8xf32>
      %broadcast_in_dim3A_81 = vector.shape_cast %reduce_max3A_80 : vector<8xf32> to vector<8x1xf32>
      %eq3A_82 = vector.broadcast %broadcast_in_dim3A_81 : vector<8x1xf32> to vector<8x4096xf32>
      %eq3A_83 = arith.cmpf oeq, %min3A, %eq3A_82 : vector<8x4096xf32>
      %jit3A_84 = arith.constant 4096 : i32
      %broadcast_in_dim3A_85 = vector.broadcast %jit3A_84 : i32 to vector<8x4096xi32>
      %select_n3A_86 = arith.select %eq3A_83, %iota3A, %broadcast_in_dim3A_85 : vector<8x4096xi1>, vector<8x4096xi32>
      %reduce_min3A = arith.constant dense<2147483647> : vector<8xi32>
      %reduce_min3A_87 = vector.multi_reduction <minsi>, %select_n3A_86, %reduce_min3A [1] : vector<8x4096xi32> to vector<8xi32>
      %broadcast_in_dim3A_88 = vector.shape_cast %reduce_min3A_87 : vector<8xi32> to vector<8x1xi32>
      scf.yield %broadcast_in_dim3A_88 : vector<8x1xi32>
    }
    %scan3A_18 = arith.constant 1024 : i32
    return
  }
}

module attributes {stable_mosaic.version = 14 : i64} {
  func.func @_mlp_body(%arg0: i32, %arg1: memref<4096x80xf32, #tpu.memory_space<vmem>>, %arg2: memref<4096x3xf32, #tpu.memory_space<vmem>>, %arg3: memref<80x64xf32, #tpu.memory_space<vmem>>, %arg4: memref<3x64xf32, #tpu.memory_space<vmem>>, %arg5: memref<1x64xf32, #tpu.memory_space<vmem>>, %arg6: memref<64x128xf32, #tpu.memory_space<vmem>>, %arg7: memref<1x128xf32, #tpu.memory_space<vmem>>, %arg8: memref<128x128xf32, #tpu.memory_space<vmem>>) attributes {dimension_semantics = [#tpu.dimension_semantics<arbitrary>], iteration_bounds = array<i64: 64>, scalar_prefetch = 0 : i64, scratch_operands = 0 : i64, tpu.core_type = #tpu.core_type<tc>, window_params = [{transform_indices = @transform_0, window_bounds = array<i64: 4096, 80>}, {transform_indices = @transform_1, window_bounds = array<i64: 4096, 3>}, {pipeline_mode = #tpu.pipeline_mode<synchronous>, transform_indices = @transform_2, window_bounds = array<i64: 80, 64>}, {pipeline_mode = #tpu.pipeline_mode<synchronous>, transform_indices = @transform_3, window_bounds = array<i64: 3, 64>}, {pipeline_mode = #tpu.pipeline_mode<synchronous>, transform_indices = @transform_4, window_bounds = array<i64: 1, 64>}, {pipeline_mode = #tpu.pipeline_mode<synchronous>, transform_indices = @transform_5, window_bounds = array<i64: 64, 128>}, {pipeline_mode = #tpu.pipeline_mode<synchronous>, transform_indices = @transform_6, window_bounds = array<i64: 1, 128>}, {transform_indices = @transform_7, window_bounds = array<i64: 128, 128>}]} {
    %get3A = arith.constant 0 : index
    %get3A_0 = arith.constant 0 : index
    %get3A_1 = vector.load %arg1[%get3A, %get3A_0] : memref<4096x80xf32, #tpu.memory_space<vmem>>, vector<4096x80xf32>
    %get3A_2 = arith.constant 0 : index
    %get3A_3 = arith.constant 0 : index
    %get3A_4 = vector.load %arg3[%get3A_2, %get3A_3] : memref<80x64xf32, #tpu.memory_space<vmem>>, vector<80x64xf32>
    %dot_general3A = arith.constant dense<0.000000e+00> : vector<4096x64xf32>
    %dot_general3A_5 = tpu.matmul %get3A_1, %get3A_4, %dot_general3A {dimension_numbers = #tpu.dot_dimension_numbers<[1], [0], [0], [1], [0, 0, 1, 1], [], []>, transpose_lhs_hint = false} : vector<4096x80xf32>, vector<80x64xf32>, vector<4096x64xf32> -> vector<4096x64xf32>
    %get3A_6 = arith.constant 0 : index
    %get3A_7 = arith.constant 0 : index
    %get3A_8 = vector.load %arg2[%get3A_6, %get3A_7] : memref<4096x3xf32, #tpu.memory_space<vmem>>, vector<4096x3xf32>
    %get3A_9 = arith.constant 0 : index
    %get3A_10 = arith.constant 0 : index
    %get3A_11 = vector.load %arg4[%get3A_9, %get3A_10] : memref<3x64xf32, #tpu.memory_space<vmem>>, vector<3x64xf32>
    %dot_general3A_12 = arith.constant dense<0.000000e+00> : vector<4096x64xf32>
    %dot_general3A_13 = tpu.matmul %get3A_8, %get3A_11, %dot_general3A_12 {dimension_numbers = #tpu.dot_dimension_numbers<[1], [0], [0], [1], [0, 0, 1, 1], [], []>, transpose_lhs_hint = false} : vector<4096x3xf32>, vector<3x64xf32>, vector<4096x64xf32> -> vector<4096x64xf32>
    %sub3A = arith.subf %dot_general3A_5, %dot_general3A_13 : vector<4096x64xf32>
    %get3A_14 = arith.constant 0 : index
    %get3A_15 = arith.constant 0 : index
    %get3A_16 = vector.load %arg5[%get3A_14, %get3A_15] : memref<1x64xf32, #tpu.memory_space<vmem>>, vector<1x64xf32>
    %add3A = vector.broadcast %get3A_16 : vector<1x64xf32> to vector<4096x64xf32>
    %add3A_17 = arith.addf %sub3A, %add3A : vector<4096x64xf32>
    %max3A = arith.constant 0.000000e+00 : f32
    %max3A_18 = vector.broadcast %max3A : f32 to vector<4096x64xf32>
    %max3A_19 = arith.maximumf %add3A_17, %max3A_18 : vector<4096x64xf32>
    %get3A_20 = arith.constant 0 : index
    %get3A_21 = arith.constant 0 : index
    %get3A_22 = vector.load %arg6[%get3A_20, %get3A_21] : memref<64x128xf32, #tpu.memory_space<vmem>>, vector<64x128xf32>
    %dot_general3A_23 = arith.constant dense<0.000000e+00> : vector<4096x128xf32>
    %dot_general3A_24 = tpu.matmul %max3A_19, %get3A_22, %dot_general3A_23 {dimension_numbers = #tpu.dot_dimension_numbers<[1], [0], [0], [1], [0, 0, 1, 1], [], []>, transpose_lhs_hint = false} : vector<4096x64xf32>, vector<64x128xf32>, vector<4096x128xf32> -> vector<4096x128xf32>
    %get3A_25 = arith.constant 0 : index
    %get3A_26 = arith.constant 0 : index
    %get3A_27 = vector.load %arg7[%get3A_25, %get3A_26] : memref<1x128xf32, #tpu.memory_space<vmem>>, vector<1x128xf32>
    %add3A_28 = vector.broadcast %get3A_27 : vector<1x128xf32> to vector<4096x128xf32>
    %add3A_29 = arith.addf %dot_general3A_24, %add3A_28 : vector<4096x128xf32>
    %max3A_30 = arith.constant 0.000000e+00 : f32
    %max3A_31 = vector.broadcast %max3A_30 : f32 to vector<4096x128xf32>
    %max3A_32 = arith.maximumf %add3A_29, %max3A_31 : vector<4096x128xf32>
    %reshape3A = vector.shape_cast %max3A_32 : vector<4096x128xf32> to vector<128x32x128xf32>
    %reduce_max3A = arith.constant dense<0xFF800000> : vector<128x128xf32>
    %reduce_max3A_33 = vector.multi_reduction <maximumf>, %reshape3A, %reduce_max3A [1] : vector<128x32x128xf32> to vector<128x128xf32>
    %swap3A = arith.constant 0 : index
    %swap3A_34 = arith.constant 0 : index
    %swap3A_35 = vector.load %arg8[%swap3A, %swap3A_34] : memref<128x128xf32, #tpu.memory_space<vmem>>, vector<128x128xf32>
    tpu.vector_store %arg8[%swap3A, %swap3A_34], %reduce_max3A_33 {strides = array<i32>} : memref<128x128xf32, #tpu.memory_space<vmem>>, vector<128x128xf32>,
    return
  }
  func.func @transform_0(%arg0: i32) -> (i32, i32) {
    %c0_i32 = arith.constant 0 : i32
    %c0_i32_0 = arith.constant 0 : i32
    return %arg0, %c0_i32 : i32, i32
  }
  func.func @transform_1(%arg0: i32) -> (i32, i32) {
    %c0_i32 = arith.constant 0 : i32
    %c0_i32_0 = arith.constant 0 : i32
    return %arg0, %c0_i32 : i32, i32
  }
  func.func @transform_2(%arg0: i32) -> (i32, i32) {
    %c0_i32 = arith.constant 0 : i32
    %c0_i32_0 = arith.constant 0 : i32
    %c0_i32_1 = arith.constant 0 : i32
    return %c0_i32, %c0_i32_0 : i32, i32
  }
  func.func @transform_3(%arg0: i32) -> (i32, i32) {
    %c0_i32 = arith.constant 0 : i32
    %c0_i32_0 = arith.constant 0 : i32
    %c0_i32_1 = arith.constant 0 : i32
    return %c0_i32, %c0_i32_0 : i32, i32
  }
  func.func @transform_4(%arg0: i32) -> (i32, i32) {
    %c0_i32 = arith.constant 0 : i32
    %c0_i32_0 = arith.constant 0 : i32
    %c0_i32_1 = arith.constant 0 : i32
    return %c0_i32, %c0_i32_0 : i32, i32
  }
  func.func @transform_5(%arg0: i32) -> (i32, i32) {
    %c0_i32 = arith.constant 0 : i32
    %c0_i32_0 = arith.constant 0 : i32
    %c0_i32_1 = arith.constant 0 : i32
    return %c0_i32, %c0_i32_0 : i32, i32
  }
  func.func @transform_6(%arg0: i32) -> (i32, i32) {
    %c0_i32 = arith.constant 0 : i32
    %c0_i32_0 = arith.constant 0 : i32
    %c0_i32_1 = arith.constant 0 : i32
    return %c0_i32, %c0_i32_0 : i32, i32
  }
  func.func @transform_7(%arg0: i32) -> (i32, i32) {
    %c0_i32 = arith.constant 0 : i32
    %c0_i32_0 = arith.constant 0 : i32
    return %arg0, %c0_i32 : i32, i32
  }
}

</mosaic_0001>

<sc_bundles>
// kernel: kernel.6.cloned.1.call-start
scs
__scs_entry_jumppad:
0x0: {  	(pc) =	sbr.rel $0x88, $3  }
0x1: {  	(tag) =	ssettag $0x0;
	lr =	simm.s32 $0x1  }
0x2: {  	[smem:$0x3F9B] =	sst lr;
	_ =	strace $0xD0000000  }
0x3: {  	_ = 	snop  }
0x4: {  	_ = 	snop  }
0x5: {  	_ = 	snop  }
0x6: {  	_ = 	snop  }
0x7: {  	_ = 	snop  }
__scs_overlays_trampoline_lowered:
0x8: {  	[smem:$0x3FAA] =	sst s0  }
0x9: {  	[smem:$0x3FAB] =	sst s1  }
0xa: {  	[smem:$0x3FAC] =	sst s2  }
0xb: {  	[smem:$0x3FAD] =	sst s3  }
0xc: {  	[smem:$0x3FAE] =	sst s4  }
0xd: {  	[smem:$0x3FAF] =	sst s5  }
0xe: {  	[smem:$0x3FB0] =	sst s6  }
0xf: {  	[smem:$0x3FB1] =	sst s7  }
0x10: {  	[smem:$0x3FB2] =	sst s8  }
0x11: {  	[smem:$0x3FB3] =	sst s9;
	s0 =	simm.s32 @!p0 $0x0  }
0x12: {  	s1 =	sld [smem:$0x3F99];
	s0 =	simm.s32 @p0 $0x1  }
0x13: {  	[smem:$0x3FB4] =	sst s0;
	s0 =	simm.s32 @!p1 $0x0  }
0x14: {  	s2 =	sld [smem:$0x3F98];
	s0 =	simm.s32 @p1 $0x1  }
0x15: {  	[smem:$0x3FB5] =	sst s0;
	s0 =	simm.s32 @!p2 $0x0  }
0x16: {  	s3 =	sld [smem:$0x3FDB];
	s0 =	simm.s32 @p2 $0x1  }
0x17: {  	s4 =	simm.s32 $0x1BF5;
	[smem:$0x3FB7] =	sst s0  }
0x18: {  	s0 =	sld [smem:$0x3F9A];
	_ =	swait.ge [sflag:s4], $0x0  }
0x19: {  	s7 =	sld [smem:$0x3F9B]  }
0x1a: {  	s8 =	sadd.s32 $0xFFFFE003, lr  }
0x1b: {  	s9 =	sadd.s32 $0xFFFFFEF7, lr;
	s5 =	simm.s32 $0xFFFFFFFF;
	p2 =	slt.u32 s8, $0xFFFFF086  }
0x1c: {  	p1 =	slt.u32 s9, $0xF7A;
	s5 =	simm.s32 @!p2 $0x0  }
0x1d: {  	s5 =	simm.s32 @p1 $0x1;
	p0 =	seq.s32 s7, s2  }
0x1e: {  	s7 =	smul.u32 @!p0 $0xF7A, s2;
	p2 =	seq.s32 @!p0 s5, $0x0  }
0x1f: {  	s9 =	smul.u32 $0xF7A, s1;
	s8 =	simm.s32 @!p0 $0x1BF5;
	p2 =	por !p2, p0  }
0x20: {  	[sflag:s8] =	ssyncset.s32 @!p0 $0xFFFFF086;
	s6 =	sadd.s32 @!p0 s3, s7;
	s7 =	simm.s32 @!p0 $0x108  }
0x21: {  	s3 =	sadd.s32 s3, s9;
	s6 =	sadd.s32 @!p0 $0x88, s6;
	s7 =	simm.s32 @p2 $0x1082  }
0x22: {  	[simem:s7], [sflag:s8] =	dma.local @!p0 [hbm:s6], $0xF7A  }
0x23: {  	s9 =	sor.u32 $0xD0000000, s2;
	s6 =	simm.s32 $0x108;
	_ =	swait.ge @!p0 [sflag:s8], $0x0  }
0x24: {  	s3 =	sadd.s32 $0x88, s3;
	s6 =	simm.s32 @!p1 $0x1082;
	[sflag:s4] =	ssyncset.s32 $0xFFFFF086  }
0x25: {  	[simem:s6], [sflag:s4] =	dma.local [hbm:s3], $0xF7A  }
0x26: {  	[smem:$0x3F9B] =	sst s1;
	(tag) =	ssettag s2;
	_ =	strace s9  }
0x27: {  	s1 =	sld [smem:$0x3FAB]  }
0x28: {  	s2 =	sld [smem:$0x3FAC]  }
0x29: {  	s4 =	sld [smem:$0x3FAE]  }
0x2a: {  	p0 =	seq.s32 s5, $0x0;
	s5 =	sld [smem:$0x3FAF]  }
0x2b: {  	s6 =	sld [smem:$0x3FB0]  }
0x2c: {  	s7 =	sld [smem:$0x3FB1]  }
0x2d: {  	s3 =	simm.s32 $0x108;
	s8 =	sld [smem:$0x3FB2]  }
0x2e: {  	s3 =	simm.s32 @!p0 $0x1082;
	s9 =	sld [smem:$0x3FB3]  }
0x2f: {  	lr =	sadd.s32 s0, s3;
	s0 =	sld [smem:$0x3FAA]  }
0x30: {  	s3 =	sld [smem:$0x3FAD]  }
0x31: {  	[smem:$0x3FB6] =	sst s10  }
0x32: {  	s10 =	sld [smem:$0x3FB4];
	_ =	sdelay $0x3  }
0x33: {  	p0 =	seq.s32 s10, $0x1;
	s10 =	sld [smem:$0x3FB6];
	_ =	sdelay $0x3  }
0x34: {  	[smem:$0x3FB6] =	sst s10  }
0x35: {  	s10 =	sld [smem:$0x3FB5];
	_ =	sdelay $0x3  }
0x36: {  	p1 =	seq.s32 s10, $0x1;
	s10 =	sld [smem:$0x3FB6];
	_ =	sdelay $0x3  }
0x37: {  	[smem:$0x3FB6] =	sst s10  }
0x38: {  	s10 =	sld [smem:$0x3FB7]  }
0x39: {  	_ = 	snop;
	(pc) =	sbr.ind lr, $3  }
0x3a: {  	_ = 	snop  }
0x3b: {  	_ = 	snop  }
0x3c: {  	p2 =	seq.s32 s10, $0x1;
	s10 =	sld [smem:$0x3FB6]  }
0x3d: {  	_ =	shalt  }
0x3e: {  	_ =	shalt  }
0x3f: {  	_ =	shalt  }
0x40: {  	_ =	shalt  }
0x41: {  	_ =	shalt  }
0x42: {  	_ =	shalt  }
0x43: {  	_ =	shalt  }
0x44: {  	_ =	shalt  }
0x45: {  	_ =	shalt  }
0x46: {  	_ =	shalt  }
0x47: {  	_ =	shalt  }
0x48: {  	_ =	shalt  }
0x49: {  	_ =	shalt  }
0x4a: {  	_ =	shalt  }
0x4b: {  	_ =	shalt  }
0x4c: {  	_ =	shalt  }
0x4d: {  	_ =	shalt  }
0x4e: {  	_ =	shalt  }
0x4f: {  	_ =	shalt  }
0x50: {  	_ =	shalt  }
0x51: {  	_ =	shalt  }
0x52: {  	_ =	shalt  }
0x53: {  	_ =	shalt  }
0x54: {  	_ =	shalt  }
0x55: {  	_ =	shalt  }
0x56: {  	_ =	shalt  }
0x57: {  	_ =	shalt  }
0x58: {  	_ =	shalt  }
0x59: {  	_ =	shalt  }
0x5a: {  	_ =	shalt  }
0x5b: {  	_ =	shalt  }
0x5c: {  	_ =	shalt  }
0x5d: {  	_ =	shalt  }
0x5e: {  	_ =	shalt  }
0x5f: {  	_ =	shalt  }
0x60: {  	_ =	shalt  }
0x61: {  	_ =	shalt  }
0x62: {  	_ =	shalt  }
0x63: {  	_ =	shalt  }
0x64: {  	_ =	shalt  }
0x65: {  	_ =	shalt  }
0x66: {  	_ =	shalt  }
0x67: {  	_ =	shalt  }
0x68: {  	_ =	shalt  }
0x69: {  	_ =	shalt  }
0x6a: {  	_ =	shalt  }
0x6b: {  	_ =	shalt  }
0x6c: {  	_ =	shalt  }
0x6d: {  	_ =	shalt  }
0x6e: {  	_ =	shalt  }
0x6f: {  	_ =	shalt  }
0x70: {  	_ =	shalt  }
0x71: {  	_ =	shalt  }
0x72: {  	_ =	shalt  }
0x73: {  	_ =	shalt  }
0x74: {  	_ =	shalt  }
0x75: {  	_ =	shalt  }
0x76: {  	_ =	shalt  }
0x77: {  	_ =	shalt  }
0x78: {  	_ =	shalt  }
0x79: {  	_ =	shalt  }
0x7a: {  	_ =	shalt  }
0x7b: {  	_ =	shalt  }
0x7c: {  	_ =	shalt  }
0x7d: {  	_ =	shalt  }
0x7e: {  	_ =	shalt  }
0x7f: {  	_ =	shalt  }
0x80: {  	_ =	shalt  }
0x81: {  	_ =	shalt  }
0x82: {  	_ =	shalt  }
0x83: {  	_ =	shalt  }
0x84: {  	_ =	shalt  }
0x85: {  	_ =	shalt  }
0x86: {  	_ =	shalt  }
0x87: {  	_ =	shalt  }
.Lfunc_end0:
.L_simem_size_0:
called_computation_lowered:
.L_overlay_start_0:
0x88: {  	s2 =	sld [smem:$0x3FD9]  }
0x89: {  	s3 =	sld [smem:$0x3FFE];
	_ =	sdelay $0x1  }
0x8a: {  	s1 =	srdreg.scid  }
0x8b: {  	s0 =	sand.u32 $0x1, s1  }
0x8c: {  	s14 =	sshll.u32 s0, $0xA;
	s2 =	sadd.s32 s3, s2  }
0x8d: {  	s2 =	sadd.s32 s2, s14  }
0x8e: {  	[smem:$0x3FC2] =	sst s2  }
0x8f: {  	_ = 	snop  }
0x90: {  	s2 =	sld [smem:$0x3FD0];
	_ =	sdelay $0x2  }
0x91: {  	s15 =	simm.s32 $0xA;
	s4 =	simm.s32 $0x10  }
0x92: {  	[smem:s4], [sflag:s15] =	dma.local [hbm:s2], $0x1  }
0x93: {  	_ =	swait.eq [sflag:s15], $0x1  }
0x94: {  	[sflag:s15] =	ssyncset.done $0x0  }
0x95: {  	s16 =	sld [smem:$0x10];
	[sflag:s15] =	ssyncadd.s32 $0xFFFFFFFF  }
0x96: {  	s17 =	sld [smem:$0x11];
	(tm) =	ssettm $0x1  }
0x97: {  	s18 =	sld [smem:$0x3FFB];
	_ =	sdelay $0x3  }
0x98: {  	_ =	strace s18  }
0x99: {  	s4 =	sld [smem:$0x3FFC];
	_ =	sdelay $0x3  }
0x9a: {  	_ =	strace s4  }
0x9b: {  	s4 =	sld [smem:$0x3FFD];
	_ =	sdelay $0x3  }
0x9c: {  	_ =	strace s4  }
0x9d: {  	_ =	strace $0x8FFFFFFF  }
0x9e: {  	s19 =	sld [smem:$0x3FDB];
	_ =	sdelay $0x1  }
0x9f: {  	s5 =	simm.s32 $_scs_section_size  }
0xa0: {  	s6 =	simm.s32 $_size__tile_overlayer_lowered;
	s7 =	simm.s32 $_tile_overlayer_lowered  }
0xa1: {  	s22 =	simm.s32 $0x1BFF;
	s21 =	sshll.u32 s7, $0x1;
	s4 =	sadd.s32 s5, s19  }
0xa2: {  	s8 =	simm.s32 $0x0;
	s20 =	sshll.u32 s6, $0x1;
	s6 =	sadd.s32 s21, s4  }
0xa3: {  	[timem:s8], [sflag:s22] =	dma.local [hbm:s6], s20  }
0xa4: {  	_ =	swait.ge [sflag:s22], s20  }
0xa5: {  	s5 =	ssub.s32 $0x0, s20;
	[sflag:s22] =	ssyncset.done $0x0  }
0xa6: {  	[sflag:s22] =	ssyncadd.s32 s5;
	_ =	sdelay $0x1  }
0xa7: {  	s23 =	simm.s32 $0x1B8B  }
0xa8: {  	_ =	swait.ge [sflag:s23], $0x1  }
0xa9: {  	[sflag:s23] =	ssyncset.done $0x0  }
0xaa: {  	s25 =	simm.s32 $0x1B8E;
	s24 =	sld [smem:$0x3FFE];
	[sflag:s23] =	ssyncadd.s32 $0xFFFFFFFF  }
0xab: {  	s26 =	simm.s32 $execute0_lowered;
	[smem:$0x3FD2] =	sst s25  }
0xac: {  	s6 =	sshll.u32 s26, $0x1;
	_ =	strace $0x80000046;
	[dreg:$0x1] =	wrdreg $0xFFFFFFFF  }
0xad: {  	s28 =	simm.s32 $_size_execute0_lowered;
	s4 =	sadd.s32 s4, s6;
	[dreg:$0x0] =	wrdreg $0x0  }
0xae: {  	s6 =	sshll.u32 s28, $0x1;
	[dreg:$0x2] =	wrdreg s4  }
0xaf: {  	[dreg:$0x3] =	wrdreg s6  }
0xb0: {  	[dreg:$0x4] =	wrdreg $0xC0  }
0xb1: {  	_ =	task [dreg:s8], $0x5FFFF  }
0xb2: {  	[dreg:$0x1] =	wrdreg $0xFFFFFFFF  }
0xb3: {  	[dreg:$0x0] =	wrdreg $0x60  }
0xb4: {  	[dreg:$0x2] =	wrdreg s24  }
0xb5: {  	[dreg:$0x3] =	wrdreg s16  }
0xb6: {  	[dreg:$0x4] =	wrdreg s17  }
0xb7: {  	[dreg:$0x5] =	wrdreg $0x9  }
0xb8: {  	_ =	task.clear_ibuf [dreg:s8], $0x6FFFF;
	_ =	strace $0x90000046  }
0xb9: {  	s29 =	simm.s32 $0x9;
	_ =	strace $0x80000048  }
0xba: {  	_ =	swait.ge [sflag:s29], $0x1  }
0xbb: {  	[sflag:s29] =	ssyncadd.s32 $0xFFFFFFFF  }
0xbc: {  	_ =	strace $0x90000048  }
0xbd: {  	_ =	sfence  }
0xbe: {  	s30 =	sld [smem:$0x0];
	_ =	sdelay $0x2  }
0xbf: {  	s31 =	sshll.u32 s1, $0xD;
	s1 =	sshrl.u32 s1, $0x2  }
0xc0: {  	s3 =	sand.u32 $0x4000, s31;
	s1 =	sadd.s32 s1, s30  }
0xc1: {  	s0 =	sor.u32 s3, s0;
	s1 =	sshll.u32 s1, $0x11  }
0xc2: {  	s0 =	sor.u32 s1, s0  }
0xc3: {  	s0 =	sadd.s32 $0x8F2B, s0  }
0xc4: {  	[sflag:s0] =	ssyncadd.remote.s32 $0x1  }
0xc5: {  	_ =	sfence.sel $0xFFFF  }
0xc6: {  	[dreg:$0x0] =	wrdreg $0xFFFFFFFF;
	(pc) =	sbr.abs _section_cstart, $3  }
0xc7: {  	[dreg:$0x1] =	wrdreg $0xFFFFFFFF  }
0xc8: {  	_ =	task.clear_ibuf [dreg:s8], $0x2FFFF;
	_ =	strace $0x9FFFFFFF  }
0xc9: {  	(tm) =	ssettm $0x7FFFFFFF  }
tec
execute0_lowered:
.L_overlay_start_1:
0x0: {  	(tag) =	ssettag $0x1  }
0x1: {  	s0 =	rddreg [dreg:$0x0]  }
0x2: {  	s1 =	rddreg [dreg:$0x1]  }
0x3: {  	s10 =	rddreg [dreg:$0x2];
	s5 =	stileid.u32  }
0x4: {  	s3 =	srdreg.scid;
	s2 =	simm.s32 $0x0;
	s12 =	simm.s32 $0x1  }
0x5: {  	s15 =	simm.s32 $0x4000;
	s16 =	simm.s32 $0x4110;
	s17 =	simm.s32 $0x4220  }
0x6: {  	s18 =	simm.s32 $0x4330;
	s19 =	simm.s32 $0x0;
	s22 =	simm.s32 $0x0  }
0x7: {  	s3 =	sand.u32 $0x1, s3;
	s4 =	sshll.u32 s5, $0x1;
	[smem:$0x7FF] =	sst s2  }
0x8: {  	s26 =	sshrl.u32 s5, $0x1;
	s8 =	sor.u32 s3, s4;
	_ =	strace $0x80000047  }
0x9: {  	s6 =	sshll.u32 s26, $0x7;
	s3 =	ssub.s32 $0x2, s3;
	s7 =	sshll.u32 s26, $0x9  }
0xa: {  	s28 =	sshll.u32 s8, $0x5;
	s29 =	sshrl.u32 s3, $0x1;
	s30 =	sadd.s32 s7, s0  }
.Ltmp0:
0xb: {  	s31 =	sshll.u32 s8, $0xA;
	s5 =	sand.u32 $0x60, s28;
	(pc) =	sbr.rel .LBB2_1-.Ltmp0, $4  }
0xc: {  	s11 =	ssub.s32 s3, s29;
	s3 =	sshll.u32 s26, $0xC;
	s4 =	sadd.s32 $0x2E00, s30  }
0xd: {  	s10 =	sadd.s32 s10, s31;
	s9 =	sor.u32 s6, s5;
	s5 =	sadd.s32 $0x3E00, s30  }
0xe: {  	v0 =	vlaneseq.u32;
	s6 =	sadd.s32 $0x1600, s30;
	s11 =	smax.u32 s11, $0x1;
	s0 =	sadd.s32 s9, s0  }
0xf: {  	v1 =	vor.u32 $0x10, v0;
	s7 =	sadd.s32 s1, s9;
	s8 =	sadd.s32 $0x2A00, s0;
	s9 =	sadd.s32 $0x2600, s0  }
.LBB2_13:
0x10: {  	s19 =	sadd.s32 $0x1, s19  }
0x11: {  	p0 =	sne.s32 s19, s11  }
.Ltmp1:
0x12: {  	_ = 	snop;
	(pc) =	sbr.rel @!p0 .LBB2_14-.Ltmp1, $4  }
0x13: {  	[hbm4b:s10+s2] =	stream.linear.scatter [tilespmem:s18], [sflag:$0x1], $0x2000, $0x38;
	[tilespmem:$0x6450] =	vst v63  }
0x14: {  	_ =	swait.ge [sflag:s12], $0x2000  }
0x15: {  	[sflag:s12] =	ssyncset.done $0x0  }
0x16: {  	[sflag:s12] =	ssyncadd.s32 $0xFFFFE000  }
.LBB2_1:
0x17: {  	[tilespmem:s2], [sflag:$0x1] =	stream.linear.gather [hbm4b:s4+s2], $0x1000, $0x38;
	[tilespmem:$0x6450] =	vst v63  }
0x18: {  	_ =	swait.ge [sflag:s12], $0x1000  }
0x19: {  	[sflag:s12] =	ssyncset.done $0x0  }
0x1a: {  	s0 =	simm.s32 $0x1000;
	[sflag:s12] =	ssyncadd.s32 $0xFFFFF000  }
0x1b: {  	[tilespmem:s0], [sflag:$0x1] =	stream.linear.gather [hbm4b:s5+s2], $0x1000, $0x38;
	[tilespmem:$0x6450] =	vst v63  }
0x1c: {  	_ =	swait.ge [sflag:s12], $0x1000  }
0x1d: {  	[sflag:s12] =	ssyncset.done $0x0  }
0x1e: {  	s31 =	simm.s32 $0x2000;
	[sflag:s12] =	ssyncadd.s32 $0xFFFFF000  }
0x1f: {  	[tilespmem:s31], [sflag:$0x1] =	stream.linear.gather [hbm4b:s6+s2], $0x1000, $0x38;
	[tilespmem:$0x6450] =	vst v63  }
0x20: {  	_ =	swait.ge [sflag:s12], $0x1000  }
0x21: {  	[sflag:s12] =	ssyncset.done $0x0  }
0x22: {  	[sflag:s12] =	ssyncadd.s32 $0xFFFFF000  }
0x23: {  	[tilespmem:s15], [sflag:$0x1] =	stream.linear.gather [hbm4b:s7+s2], $0x100, $0x38;
	[tilespmem:$0x6450] =	vst v63  }
0x24: {  	_ =	swait.ge [sflag:s12], $0x100  }
0x25: {  	[sflag:s12] =	ssyncset.done $0x0  }
0x26: {  	[sflag:s12] =	ssyncadd.s32 $0xFFFFFF00  }
0x27: {  	[tilespmem:s16], [sflag:$0x1] =	stream.linear.gather [hbm4b:s8+s2], $0x100, $0x38;
	[tilespmem:$0x6450] =	vst v63  }
0x28: {  	_ =	swait.ge [sflag:s12], $0x100  }
0x29: {  	[sflag:s12] =	ssyncset.done $0x0  }
0x2a: {  	[sflag:s12] =	ssyncadd.s32 $0xFFFFFF00  }
0x2b: {  	[tilespmem:s17], [sflag:$0x1] =	stream.linear.gather [hbm4b:s9+s2], $0x100, $0x38;
	[tilespmem:$0x6450] =	vst v63  }
0x2c: {  	_ =	swait.ge [sflag:s12], $0x100  }
0x2d: {  	[sflag:s12] =	ssyncset.done $0x0  }
0x2e: {  	s0 =	simm.s32 $0x0;
	[sflag:s12] =	ssyncadd.s32 $0xFFFFFF00  }
0x2f: {  	v2 =	vld [tilespmem:s0+$0x0]  }
0x30: {  	v3 =	vld [tilespmem:s0+$0x1000]  }
0x31: {  	v4 =	vld [tilespmem:s0+$0x2000];
	_ =	sdelay $0x2  }
0x32: {  	s20 =	simm.s32 $0x10  }
0x33: {  	v5 =	vmul.f32 v2, v2;
	v3 =	vmul.f32 v3, v3;
	v2 =	vld [tilespmem:s20+$0x0]  }
0x34: {  	v6 =	vmul.f32 v4, v4;
	v4 =	vld [tilespmem:s20+$0x1000]  }
0x35: {  	v5 =	vadd.f32 v3, v5  }
0x36: {  	v3 =	vld [tilespmem:s20+$0x2000]  }
0x37: {  	s1 =	simm.s32 $0x80;
	v5 =	vadd.f32 v6, v5  }
.LBB2_2:
0x38: {  	s13 =	sshra.s32 s1, $0x2;
	p0 =	sne.s32 s1, $0x3FC0  }
.Ltmp2:
0x39: {  	s1 =	sadd.s32 $0x40, s1;
	v6 =	vmul.f32 v2, v2;
	v2 =	vld [tilespmem:s13+$0x0];
	v7 =	vmul.f32 v4, v4;
	[tilespmem:s0+$0x3000] =	vst v5;
	(pc) =	sbr.rel @p0 .LBB2_2-.Ltmp2, $4  }
0x3a: {  	s0 =	smov.u32 s20;
	s20 =	smov.u32 s13;
	v4 =	vld [tilespmem:s13+$0x1000]  }
0x3b: {  	v5 =	vadd.f32 v7, v6;
	v6 =	vmul.f32 v3, v3  }
0x3c: {  	v3 =	vld [tilespmem:s20+$0x2000]  }
0x3d: {  	v5 =	vadd.f32 v6, v5  }
0x3e: {  	_ = 	snop  }
0x3f: {  	v2 =	vmul.f32 v2, v2;
	v4 =	vmul.f32 v4, v4;
	_ =	sdelay $0x1  }
0x40: {  	v2 =	vadd.f32 v4, v2;
	v3 =	vmul.f32 v3, v3;
	_ =	sdelay $0x1  }
0x41: {  	v2 =	vadd.f32 v3, v2  }
0x42: {  	[tilespmem:s0+$0x3000] =	vst v5  }
0x43: {  	s21 =	simm.s32 $0x0;
	[tilespmem:s20+$0x3000] =	vst v2  }
0x44: {  	v3 =	vld [tilespmem:s21+$0x0]  }
0x45: {  	s0 =	simm.s32 $0x40;
	s20 =	simm.s32 $0x0;
	v2 =	vld [tilespmem:s21+$0x1000]  }
.LBB2_4:
0x46: {  	p0 =	sne.s32 s0, $0x3FC0;
	v4 =	vld [tilespmem:s21+$0x2000];
	_ =	sdelay $0x2  }
0x47: {  	v5 =	vshrl.u32 v3, $0x10  }
0x48: {  	v5 =	vand.u32 $0x1, v5;
	v6 =	vshrl.u32 v2, $0x10  }
0x49: {  	v3 =	vadd.s32 v5, v3;
	v5 =	vand.u32 $0x1, v6;
	v6 =	vshrl.u32 v4, $0x10  }
.Ltmp3:
0x4a: {  	v3 =	vadd.s32 $0x7FFF, v3;
	v2 =	vadd.s32 v5, v2;
	v5 =	vand.u32 $0x1, v6;
	(pc) =	sbr.rel @p0 .LBB2_4-.Ltmp3, $4  }
0x4b: {  	v3 =	vand.u32 $0xFFFF0000, v3;
	v2 =	vadd.s32 $0x7FFF, v2;
	v4 =	vadd.s32 v5, v4  }
0x4c: {  	s1 =	sshra.s32 s0, $0x2;
	[tilespmem:s21+$0x0] =	vst v3;
	v2 =	vand.u32 $0xFFFF0000, v2;
	v4 =	vadd.s32 $0x7FFF, v4  }
0x4d: {  	v3 =	vld [tilespmem:s1+$0x0];
	[tilespmem:s21+$0x1000] =	vst v2;
	v4 =	vand.u32 $0xFFFF0000, v4  }
0x4e: {  	s0 =	sadd.s32 $0x40, s0;
	v2 =	vld [tilespmem:s1+$0x1000];
	[tilespmem:s21+$0x2000] =	vst v4;
	s21 =	smov.u32 s1  }
0x4f: {  	v4 =	vld [tilespmem:s21+$0x2000];
	_ =	sdelay $0x2  }
0x50: {  	v5 =	vshrl.u32 v3, $0x10  }
0x51: {  	v5 =	vand.u32 $0x1, v5;
	v6 =	vshrl.u32 v2, $0x10  }
0x52: {  	v3 =	vadd.s32 v5, v3;
	v61 =	vand.u32 $0x1, v6;
	v62 =	vshrl.u32 v4, $0x10  }
.Ltmp4:
0x53: {  	v3 =	vadd.s32 $0x7FFF, v3;
	v2 =	vadd.s32 v61, v2;
	v63 =	vand.u32 $0x1, v62;
	(pc) =	sbr.rel .LBB2_6-.Ltmp4, $4  }
0x54: {  	v3 =	vand.u32 $0xFFFF0000, v3;
	v2 =	vadd.s32 $0x7FFF, v2;
	v4 =	vadd.s32 v63, v4  }
0x55: {  	[tilespmem:s21+$0x0] =	vst v3;
	v2 =	vand.u32 $0xFFFF0000, v2;
	v3 =	vadd.s32 $0x7FFF, v4  }
0x56: {  	[tilespmem:s21+$0x1000] =	vst v2;
	v2 =	vand.u32 $0xFFFF0000, v3  }
0x57: {  	[tilespmem:s21+$0x2000] =	vst v2  }
.LBB2_12:
0x58: {  	v2 =	vld [tilespmem:s21+$0x4330];
	_ =	sdelay $0x4  }
0x59: {  	(v2sf) =	vpush v2, $0x0;
	_ =	sdelay $0x6  }
0x5a: {  	v2 =	vor.u32 s21, v0;
	_ =	sdelay $0x4  }
0x5b: {  	v3 =	vld.idx.msk [tilespmem:v2+s18+$0x0], $0xffff;
	_ =	sdelay $0x1  }
0x5c: {  	v4 =	vor.u32 s21, v1  }
0x5d: {  	p0 =	sgt.s32 s26, $0x0;
	s1 =	smov.u32 s3;
	v5 =	vmov s26;
	s0 =	spop (v2sf)  }
0x5e: {  	vm0 =	vgt.s32 v5, v0;
	s1 =	smov.u32 @p0 s0  }
0x5f: {  	v3 =	vnsel vm0, s1, v3  }
0x60: {  	[tilespmem:v2+s18+$0x0] =	vst.idx.msk $0xffff, v3  }
0x61: {  	s20 =	sadd.s32 $0x1, s20;
	v2 =	vld.idx.msk [tilespmem:v4+s18+$0x0], $0xffff  }
0x62: {  	p0 =	sne.s32 s20, $0x100  }
.Ltmp5:
0x63: {  	_ = 	snop;
	(pc) =	sbr.rel @!p0 .LBB2_13-.Ltmp5, $4  }
0x64: {  	_ = 	snop  }
0x65: {  	vm15 =	vgt.s32 v5, v1  }
0x66: {  	v2 =	vnsel vm15, s1, v2  }
0x67: {  	[tilespmem:v4+s18+$0x0] =	vst.idx.msk $0xffff, v2  }
.LBB2_6:
0x68: {  	v2 =	vld [tilespmem:s20+$0x4000]  }
0x69: {  	v3 =	vld [tilespmem:s20+$0x4110]  }
0x6a: {  	v4 =	vld [tilespmem:s20+$0x4220];
	_ =	sdelay $0x2  }
0x6b: {  	(v2sf) =	vpush v2, $0x0  }
0x6c: {  	(v2sf) =	vpush v3, $0x0  }
0x6d: {  	(v2sf) =	vpush v4, $0x0;
	_ =	sdelay $0xc  }
0x6e: {  	s0 =	spop (v2sf)  }
0x6f: {  	s1 =	spop (v2sf);
	s0 =	smul.f32 s0, s0  }
0x70: {  	s21 =	sshll.u32 s20, $0x5;
	v5 =	vshrl.u32 v2, $0x10;
	v6 =	vshrl.u32 v3, $0x10;
	s1 =	smul.f32 s1, s1;
	s13 =	spop (v2sf)  }
0x71: {  	s26 =	sand.u32 $0x3FFFFFE0, s21;
	v7 =	vshrl.u32 v4, $0x10;
	v5 =	vand.u32 $0x1, v5;
	v6 =	vand.u32 $0x1, v6;
	s25 =	smul.f32 s13, s13  }
.Ltmp6:
0x72: {  	s31 =	sadd.s32 $0x4330, s26;
	v2 =	vadd.s32 v5, v2;
	v3 =	vadd.s32 v6, v3;
	v5 =	vand.u32 $0x1, v7;
	s0 =	sadd.f32 s1, s0;
	(pc) =	sbr.rel .LBB2_7-.Ltmp6, $4  }
0x73: {  	v6 =	vmov s31;
	v2 =	vadd.s32 $0x7FFF, v2;
	v4 =	vadd.s32 v5, v4  }
0x74: {  	s23 =	simm.s32 $0x1000;
	v3 =	vadd.s32 $0x7FFF, v3;
	v2 =	vand.u32 $0xFFFF0000, v2;
	v4 =	vadd.s32 $0x7FFF, v4;
	s0 =	sadd.f32 s25, s0  }
0x75: {  	s24 =	simm.s32 $0x2000;
	s28 =	smov.u32 s3;
	s29 =	simm.s32 $0x0;
	v3 =	vand.u32 $0xFFFF0000, v3;
	v4 =	vand.u32 $0xFFFF0000, v4;
	v2 =	vbroadcast v2, $0x0  }
0x76: {  	s30 =	simm.s32 $0x0;
	s26 =	simm.s32 $0x0;
	v3 =	vbroadcast v3, $0x0;
	v4 =	vbroadcast v4, $0x0;
	s25 =	simm.s32 $0x3000;
	v5 =	vmov s0  }
.LBB2_10:
0x77: {  	s0 =	sadd.s32 s1, s29;
	v7 =	vld [tilespmem:s13+$0x0]  }
0x78: {  	v8 =	vld [tilespmem:s0+$0x0]  }
0x79: {  	s14 =	sadd.s32 s1, s24  }
0x7a: {  	v9 =	vld [tilespmem:s14+$0x0];
	_ =	sdelay $0x2  }
0x7b: {  	s1 =	sadd.s32 s1, s25;
	v7 =	vmul.f32 v7, v3;
	v8 =	vmul.f32 v8, v2  }
0x7c: {  	v10 =	vld [tilespmem:s1+$0x0]  }
0x7d: {  	v7 =	vadd.f32 v7, v8;
	v8 =	vmul.f32 v9, v4;
	_ =	sdelay $0x1  }
0x7e: {  	v7 =	vadd.f32 v8, v7;
	_ =	sdelay $0x1  }
0x7f: {  	v8 =	vadd.f32 v10, v5;
	v7 =	vadd.f32 v7, v7;
	_ =	sdelay $0x1  }
0x80: {  	v7 =	vsub.f32 v8, v7;
	_ =	sdelay $0x1  }
0x81: {  	vm0 =	vlt.f32 v7, $3.999999910e-02  }
0x82: {  	v7 =	vmpcnt.ones.xlane vm0;
	_ =	sdelay $0x1  }
0x83: {  	(v2sf) =	vpush v7, $0x0;
	_ =	sdelay $0xd  }
0x84: {  	s14 =	sadd.s32 $0x10, s31;
	s13 =	spop (v2sf)  }
0x85: {  	s0 =	sadd.s32 s26, s13;
	v7 =	vor.u32 s14, v0;
	s31 =	spop (v2sf)  }
0x86: {  	[tilespmem:v6+s0+$0x0 ss:$0x1] =	vst.idx.msk vm0, v7;
	s26 =	sadd.s32 s0, s31  }
.LBB2_11:
0x87: {  	s30 =	sadd.s32 $0x1, s30  }
0x88: {  	p0 =	sne.s32 s30, $0x10  }
.Ltmp7:
0x89: {  	_ = 	snop;
	(pc) =	sbr.rel @!p0 .LBB2_12-.Ltmp7, $3  }
0x8a: {  	_ =	sdelay $0x1  }
0x8b: {  	s29 =	sadd.s32 $0x100, s29;
	s23 =	sadd.s32 $0x100, s23  }
0x8c: {  	s24 =	sadd.s32 $0x100, s24;
	s25 =	sadd.s32 $0x100, s25;
	s28 =	sadd.s32 $0x100, s28  }
.LBB2_7:
0x8d: {  	p0 =	sgt.s32 s26, $0x1F  }
.Ltmp8:
0x8e: {  	_ = 	snop;
	(pc) =	sbr.rel @p0 .LBB2_11-.Ltmp8, $1  }
0x8f: {  	_ =	sdelay $0x3  }
0x90: {  	s0 =	sshra.s32 s22, $0x2  }
0x91: {  	s1 =	sadd.s32 s0, s23  }
0x92: {  	s13 =	sadd.s32 s0, s29;
	v7 =	vld [tilespmem:s1+$0x0]  }
0x93: {  	v8 =	vld [tilespmem:s13+$0x0]  }
0x94: {  	s13 =	sadd.s32 s0, s24  }
0x95: {  	v9 =	vld [tilespmem:s13+$0x0];
	_ =	sdelay $0x2  }
0x96: {  	s0 =	sadd.s32 s0, s25;
	v8 =	vmul.f32 v8, v2;
	v7 =	vmul.f32 v7, v3  }
0x97: {  	v10 =	vld [tilespmem:s0+$0x0]  }
0x98: {  	v7 =	vadd.f32 v7, v8;
	v8 =	vmul.f32 v9, v4;
	_ =	sdelay $0x1  }
0x99: {  	v7 =	vadd.f32 v8, v7;
	_ =	sdelay $0x1  }
0x9a: {  	v8 =	vadd.f32 v10, v5;
	v7 =	vadd.f32 v7, v7;
	_ =	sdelay $0x1  }
0x9b: {  	v7 =	vsub.f32 v8, v7;
	_ =	sdelay $0x1  }
0x9c: {  	vm0 =	vlt.f32 v7, $3.999999910e-02  }
0x9d: {  	v7 =	vmpcnt.ones.xlane vm0;
	_ =	sdelay $0x1  }
0x9e: {  	(v2sf) =	vpush v7, $0x0  }
0x9f: {  	s14 =	sadd.s32 $0x40, s22  }
0xa0: {  	s1 =	sshra.s32 s14, $0x2;
	v8 =	vor.u32 s28, v0  }
0xa1: {  	s31 =	smov.u32 s28;
	s13 =	sadd.s32 s1, s23;
	s0 =	sadd.s32 $0x40, s14;
	[tilespmem:v6+s26+$0x0 ss:$0x1] =	vst.idx.msk vm0, v8  }
.LBB2_9:
0xa2: {  	p0 =	sne.s32 s0, $0x3C0;
	s14 =	sadd.s32 s1, s29;
	v7 =	vld [tilespmem:s13+$0x0]  }
0xa3: {  	v8 =	vld [tilespmem:s14+$0x0]  }
0xa4: {  	s13 =	sadd.s32 s1, s24  }
0xa5: {  	v9 =	vld [tilespmem:s13+$0x0];
	_ =	sdelay $0x2  }
0xa6: {  	s1 =	sadd.s32 s1, s25;
	v7 =	vmul.f32 v7, v3;
	v8 =	vmul.f32 v8, v2  }
0xa7: {  	v10 =	vld [tilespmem:s1+$0x0]  }
0xa8: {  	v7 =	vadd.f32 v7, v8;
	v8 =	vmul.f32 v9, v4;
	_ =	sdelay $0x1  }
0xa9: {  	v7 =	vadd.f32 v8, v7  }
0xaa: {  	s1 =	spop (v2sf)  }
0xab: {  	v8 =	vadd.f32 v10, v5;
	v7 =	vadd.f32 v7, v7;
	s26 =	sadd.s32 s26, s1;
	_ =	sdelay $0x1  }
0xac: {  	v7 =	vsub.f32 v8, v7;
	_ =	sdelay $0x1  }
0xad: {  	vm0 =	vlt.f32 v7, $3.999999910e-02  }
0xae: {  	v7 =	vmpcnt.ones.xlane vm0  }
.Ltmp9:
0xaf: {  	(pc) =	sbr.rel @p0 .LBB2_9-.Ltmp9, $4  }
0xb0: {  	(v2sf) =	vpush v7, $0x0  }
0xb1: {  	s31 =	sadd.s32 $0x10, s31  }
0xb2: {  	s1 =	sshra.s32 s0, $0x2;
	v7 =	vor.u32 s31, v0  }
0xb3: {  	s0 =	sadd.s32 $0x40, s0;
	s13 =	sadd.s32 s1, s23;
	[tilespmem:v6+s26+$0x0 ss:$0x1] =	vst.idx.msk vm0, v7  }
.Ltmp10:
0xb4: {  	_ = 	snop;
	(pc) =	sbr.rel .LBB2_10-.Ltmp10, $1  }
0xb5: {  	_ =	sdelay $0x3  }
.LBB2_14:
0xb6: {  	_ =	sfence.sel $0x180000  }
0xb7: {  	[bflag:$0x0] =	sbarrier.arrive $0xFFFF  }
0xb8: {  	_ =	strace $0x90000047  }
0xb9: {  	s0 =	stileid.u32;
	[bflag:$0x2] =	sbarrier.arrive $0xFFFF  }
0xba: {  	p0 =	sne.s32 s0, $0x0;
	s0 =	rddreg [dreg:$0x3]  }
0xbb: {  	s0 =	sadd.s32 @!p0 $0x100000, s0  }
0xbc: {  	[sflag:s0] =	ssyncadd.tile.s32 @!p0 $0x1;
	_ =	shalt  }
.Lfunc_end2:
_tile_overlayer_lowered:
.L_overlay_start_2:
0xbd: {  	(tag) =	ssettag $0x2  }
0xbe: {  	s0 =	rddreg [dreg:$0x0];
	s2 =	stileid.u32  }
0xbf: {  	s1 =	rddreg [dreg:$0x1];
	p0 =	sne.s32 s2, $0x0  }
0xc0: {  	s3 =	rddreg [dreg:$0x2];
	[bflag:$0x3] =	sbarrier.arrive $0xFFFF;
	s2 =	simm.s32 @!p0 $0x1C01  }
0xc1: {  	[timem:s3], [sflag:s2] =	dma.local @!p0 [hbm:s0], s1  }
0xc2: {  	s0 =	simm.s32 @!p0 $0x1  }
0xc3: {  	_ =	swait.ge @!p0 [sflag:s0], s1  }
0xc4: {  	s1 =	ssub.s32 @!p0 $0x0, s1;
	[sflag:s0] =	ssyncset.done @!p0 $0x0  }
0xc5: {  	[sflag:s0] =	ssyncadd.s32 @!p0 s1  }
0xc6: {  	[bflag:$0x3] =	sbarrier.arrive $0xFFFF  }
0xc7: {  	_ =	shalt  }

// kernel: kernel.9.cloned.1.call-start
scs
__scs_entry_jumppad:
0x0: {  	(pc) =	sbr.rel $0x88, $3  }
0x1: {  	(tag) =	ssettag $0x0;
	lr =	simm.s32 $0x1  }
0x2: {  	[smem:$0x3F9B] =	sst lr;
	_ =	strace $0xD0000000  }
0x3: {  	_ = 	snop  }
0x4: {  	_ = 	snop  }
0x5: {  	_ = 	snop  }
0x6: {  	_ = 	snop  }
0x7: {  	_ = 	snop  }
__scs_overlays_trampoline_lowered:
0x8: {  	[smem:$0x3FAA] =	sst s0  }
0x9: {  	[smem:$0x3FAB] =	sst s1  }
0xa: {  	[smem:$0x3FAC] =	sst s2  }
0xb: {  	[smem:$0x3FAD] =	sst s3  }
0xc: {  	[smem:$0x3FAE] =	sst s4  }
0xd: {  	[smem:$0x3FAF] =	sst s5  }
0xe: {  	[smem:$0x3FB0] =	sst s6  }
0xf: {  	[smem:$0x3FB1] =	sst s7  }
0x10: {  	[smem:$0x3FB2] =	sst s8  }
0x11: {  	[smem:$0x3FB3] =	sst s9;
	s0 =	simm.s32 @!p0 $0x0  }
0x12: {  	s1 =	sld [smem:$0x3F99];
	s0 =	simm.s32 @p0 $0x1  }
0x13: {  	[smem:$0x3FB4] =	sst s0;
	s0 =	simm.s32 @!p1 $0x0  }
0x14: {  	s2 =	sld [smem:$0x3F98];
	s0 =	simm.s32 @p1 $0x1  }
0x15: {  	[smem:$0x3FB5] =	sst s0;
	s0 =	simm.s32 @!p2 $0x0  }
0x16: {  	s3 =	sld [smem:$0x3FDB];
	s0 =	simm.s32 @p2 $0x1  }
0x17: {  	s4 =	simm.s32 $0x1BF5;
	[smem:$0x3FB7] =	sst s0  }
0x18: {  	s0 =	sld [smem:$0x3F9A];
	_ =	swait.ge [sflag:s4], $0x0  }
0x19: {  	s7 =	sld [smem:$0x3F9B]  }
0x1a: {  	s8 =	sadd.s32 $0xFFFFE003, lr  }
0x1b: {  	s9 =	sadd.s32 $0xFFFFFEF7, lr;
	s5 =	simm.s32 $0xFFFFFFFF;
	p2 =	slt.u32 s8, $0xFFFFF086  }
0x1c: {  	p1 =	slt.u32 s9, $0xF7A;
	s5 =	simm.s32 @!p2 $0x0  }
0x1d: {  	s5 =	simm.s32 @p1 $0x1;
	p0 =	seq.s32 s7, s2  }
0x1e: {  	s7 =	smul.u32 @!p0 $0xF7A, s2;
	p2 =	seq.s32 @!p0 s5, $0x0  }
0x1f: {  	s9 =	smul.u32 $0xF7A, s1;
	s8 =	simm.s32 @!p0 $0x1BF5;
	p2 =	por !p2, p0  }
0x20: {  	[sflag:s8] =	ssyncset.s32 @!p0 $0xFFFFF086;
	s6 =	sadd.s32 @!p0 s3, s7;
	s7 =	simm.s32 @!p0 $0x108  }
0x21: {  	s3 =	sadd.s32 s3, s9;
	s6 =	sadd.s32 @!p0 $0x88, s6;
	s7 =	simm.s32 @p2 $0x1082  }
0x22: {  	[simem:s7], [sflag:s8] =	dma.local @!p0 [hbm:s6], $0xF7A  }
0x23: {  	s9 =	sor.u32 $0xD0000000, s2;
	s6 =	simm.s32 $0x108;
	_ =	swait.ge @!p0 [sflag:s8], $0x0  }
0x24: {  	s3 =	sadd.s32 $0x88, s3;
	s6 =	simm.s32 @!p1 $0x1082;
	[sflag:s4] =	ssyncset.s32 $0xFFFFF086  }
0x25: {  	[simem:s6], [sflag:s4] =	dma.local [hbm:s3], $0xF7A  }
0x26: {  	[smem:$0x3F9B] =	sst s1;
	(tag) =	ssettag s2;
	_ =	strace s9  }
0x27: {  	s1 =	sld [smem:$0x3FAB]  }
0x28: {  	s2 =	sld [smem:$0x3FAC]  }
0x29: {  	s4 =	sld [smem:$0x3FAE]  }
0x2a: {  	p0 =	seq.s32 s5, $0x0;
	s5 =	sld [smem:$0x3FAF]  }
0x2b: {  	s6 =	sld [smem:$0x3FB0]  }
0x2c: {  	s7 =	sld [smem:$0x3FB1]  }
0x2d: {  	s3 =	simm.s32 $0x108;
	s8 =	sld [smem:$0x3FB2]  }
0x2e: {  	s3 =	simm.s32 @!p0 $0x1082;
	s9 =	sld [smem:$0x3FB3]  }
0x2f: {  	lr =	sadd.s32 s0, s3;
	s0 =	sld [smem:$0x3FAA]  }
0x30: {  	s3 =	sld [smem:$0x3FAD]  }
0x31: {  	[smem:$0x3FB6] =	sst s10  }
0x32: {  	s10 =	sld [smem:$0x3FB4];
	_ =	sdelay $0x3  }
0x33: {  	p0 =	seq.s32 s10, $0x1;
	s10 =	sld [smem:$0x3FB6];
	_ =	sdelay $0x3  }
0x34: {  	[smem:$0x3FB6] =	sst s10  }
0x35: {  	s10 =	sld [smem:$0x3FB5];
	_ =	sdelay $0x3  }
0x36: {  	p1 =	seq.s32 s10, $0x1;
	s10 =	sld [smem:$0x3FB6];
	_ =	sdelay $0x3  }
0x37: {  	[smem:$0x3FB6] =	sst s10  }
0x38: {  	s10 =	sld [smem:$0x3FB7]  }
0x39: {  	_ = 	snop;
	(pc) =	sbr.ind lr, $3  }
0x3a: {  	_ = 	snop  }
0x3b: {  	_ = 	snop  }
0x3c: {  	p2 =	seq.s32 s10, $0x1;
	s10 =	sld [smem:$0x3FB6]  }
0x3d: {  	_ =	shalt  }
0x3e: {  	_ =	shalt  }
0x3f: {  	_ =	shalt  }
0x40: {  	_ =	shalt  }
0x41: {  	_ =	shalt  }
0x42: {  	_ =	shalt  }
0x43: {  	_ =	shalt  }
0x44: {  	_ =	shalt  }
0x45: {  	_ =	shalt  }
0x46: {  	_ =	shalt  }
0x47: {  	_ =	shalt  }
0x48: {  	_ =	shalt  }
0x49: {  	_ =	shalt  }
0x4a: {  	_ =	shalt  }
0x4b: {  	_ =	shalt  }
0x4c: {  	_ =	shalt  }
0x4d: {  	_ =	shalt  }
0x4e: {  	_ =	shalt  }
0x4f: {  	_ =	shalt  }
0x50: {  	_ =	shalt  }
0x51: {  	_ =	shalt  }
0x52: {  	_ =	shalt  }
0x53: {  	_ =	shalt  }
0x54: {  	_ =	shalt  }
0x55: {  	_ =	shalt  }
0x56: {  	_ =	shalt  }
0x57: {  	_ =	shalt  }
0x58: {  	_ =	shalt  }
0x59: {  	_ =	shalt  }
0x5a: {  	_ =	shalt  }
0x5b: {  	_ =	shalt  }
0x5c: {  	_ =	shalt  }
0x5d: {  	_ =	shalt  }
0x5e: {  	_ =	shalt  }
0x5f: {  	_ =	shalt  }
0x60: {  	_ =	shalt  }
0x61: {  	_ =	shalt  }
0x62: {  	_ =	shalt  }
0x63: {  	_ =	shalt  }
0x64: {  	_ =	shalt  }
0x65: {  	_ =	shalt  }
0x66: {  	_ =	shalt  }
0x67: {  	_ =	shalt  }
0x68: {  	_ =	shalt  }
0x69: {  	_ =	shalt  }
0x6a: {  	_ =	shalt  }
0x6b: {  	_ =	shalt  }
0x6c: {  	_ =	shalt  }
0x6d: {  	_ =	shalt  }
0x6e: {  	_ =	shalt  }
0x6f: {  	_ =	shalt  }
0x70: {  	_ =	shalt  }
0x71: {  	_ =	shalt  }
0x72: {  	_ =	shalt  }
0x73: {  	_ =	shalt  }
0x74: {  	_ =	shalt  }
0x75: {  	_ =	shalt  }
0x76: {  	_ =	shalt  }
0x77: {  	_ =	shalt  }
0x78: {  	_ =	shalt  }
0x79: {  	_ =	shalt  }
0x7a: {  	_ =	shalt  }
0x7b: {  	_ =	shalt  }
0x7c: {  	_ =	shalt  }
0x7d: {  	_ =	shalt  }
0x7e: {  	_ =	shalt  }
0x7f: {  	_ =	shalt  }
0x80: {  	_ =	shalt  }
0x81: {  	_ =	shalt  }
0x82: {  	_ =	shalt  }
0x83: {  	_ =	shalt  }
0x84: {  	_ =	shalt  }
0x85: {  	_ =	shalt  }
0x86: {  	_ =	shalt  }
0x87: {  	_ =	shalt  }
.Lfunc_end0:
.L_simem_size_0:
called_computation.1_lowered:
.L_overlay_start_0:
0x88: {  	s2 =	sld [smem:$0x3FD9]  }
0x89: {  	s3 =	sld [smem:$0x3FFE];
	_ =	sdelay $0x1  }
0x8a: {  	s1 =	srdreg.scid  }
0x8b: {  	s0 =	sand.u32 $0x1, s1  }
0x8c: {  	s14 =	sshll.u32 s0, $0xA;
	s2 =	sadd.s32 s3, s2  }
0x8d: {  	s2 =	sadd.s32 s2, s14  }
0x8e: {  	[smem:$0x3FC2] =	sst s2  }
0x8f: {  	_ = 	snop  }
0x90: {  	s2 =	sld [smem:$0x3FD0];
	_ =	sdelay $0x2  }
0x91: {  	s15 =	simm.s32 $0xA;
	s4 =	simm.s32 $0x10  }
0x92: {  	[smem:s4], [sflag:s15] =	dma.local [hbm:s2], $0x1  }
0x93: {  	_ =	swait.eq [sflag:s15], $0x1  }
0x94: {  	[sflag:s15] =	ssyncset.done $0x0  }
0x95: {  	[sflag:s15] =	ssyncadd.s32 $0xFFFFFFFF  }
0x96: {  	s16 =	sld [smem:$0x11];
	(tm) =	ssettm $0x1  }
0x97: {  	s17 =	sld [smem:$0x3FFB];
	_ =	sdelay $0x3  }
0x98: {  	_ =	strace s17  }
0x99: {  	s3 =	sld [smem:$0x3FFC];
	_ =	sdelay $0x3  }
0x9a: {  	_ =	strace s3  }
0x9b: {  	s3 =	sld [smem:$0x3FFD];
	_ =	sdelay $0x3  }
0x9c: {  	_ =	strace s3  }
0x9d: {  	_ =	strace $0x8FFFFFFF  }
0x9e: {  	s18 =	sld [smem:$0x3FDB];
	_ =	sdelay $0x1  }
0x9f: {  	s19 =	simm.s32 $_scs_section_size  }
0xa0: {  	s5 =	simm.s32 $_size__tile_overlayer_lowered;
	s6 =	simm.s32 $_tile_overlayer_lowered  }
0xa1: {  	s22 =	simm.s32 $0x1BFF;
	s21 =	sshll.u32 s6, $0x1;
	s3 =	sadd.s32 s19, s18  }
0xa2: {  	s7 =	simm.s32 $0x0;
	s20 =	sshll.u32 s5, $0x1;
	s5 =	sadd.s32 s21, s3  }
0xa3: {  	[timem:s7], [sflag:s22] =	dma.local [hbm:s5], s20  }
0xa4: {  	_ =	swait.ge [sflag:s22], s20  }
0xa5: {  	s4 =	ssub.s32 $0x0, s20;
	[sflag:s22] =	ssyncset.done $0x0  }
0xa6: {  	[sflag:s22] =	ssyncadd.s32 s4;
	_ =	sdelay $0x1  }
0xa7: {  	s23 =	simm.s32 $0x1B8B  }
0xa8: {  	_ =	swait.ge [sflag:s23], $0x1  }
0xa9: {  	[sflag:s23] =	ssyncset.done $0x0  }
0xaa: {  	s25 =	simm.s32 $0x1B8E;
	s24 =	sld [smem:$0x3FFE];
	[sflag:s23] =	ssyncadd.s32 $0xFFFFFFFF  }
0xab: {  	s26 =	simm.s32 $execute0_lowered;
	[smem:$0x3FD2] =	sst s25  }
0xac: {  	s5 =	sshll.u32 s26, $0x1;
	_ =	strace $0x80000049;
	[dreg:$0x1] =	wrdreg $0xFFFFFFFF  }
0xad: {  	s28 =	simm.s32 $_size_execute0_lowered;
	s3 =	sadd.s32 s3, s5;
	[dreg:$0x0] =	wrdreg $0x0  }
0xae: {  	s5 =	sshll.u32 s28, $0x1;
	[dreg:$0x2] =	wrdreg s3  }
0xaf: {  	[dreg:$0x3] =	wrdreg s5  }
0xb0: {  	[dreg:$0x4] =	wrdreg $0xC0  }
0xb1: {  	_ =	task [dreg:s7], $0x5FFFF  }
0xb2: {  	[dreg:$0x1] =	wrdreg $0xFFFFFFFF  }
0xb3: {  	[dreg:$0x0] =	wrdreg $0x60  }
0xb4: {  	[dreg:$0x2] =	wrdreg s24  }
0xb5: {  	[dreg:$0x3] =	wrdreg s16  }
0xb6: {  	[dreg:$0x4] =	wrdreg $0x9  }
0xb7: {  	_ =	task.clear_ibuf [dreg:s7], $0x5FFFF;
	_ =	strace $0x90000049  }
0xb8: {  	s29 =	simm.s32 $0x9;
	_ =	strace $0x8000004B  }
0xb9: {  	_ =	swait.ge [sflag:s29], $0x1  }
0xba: {  	[sflag:s29] =	ssyncadd.s32 $0xFFFFFFFF  }
0xbb: {  	_ =	strace $0x9000004B  }
0xbc: {  	_ =	sfence  }
0xbd: {  	s30 =	sld [smem:$0x0];
	_ =	sdelay $0x2  }
0xbe: {  	s31 =	sshll.u32 s1, $0xD;
	s1 =	sshrl.u32 s1, $0x2  }
0xbf: {  	s3 =	sand.u32 $0x4000, s31;
	s1 =	sadd.s32 s1, s30  }
0xc0: {  	s0 =	sor.u32 s3, s0;
	s1 =	sshll.u32 s1, $0x11  }
0xc1: {  	s0 =	sor.u32 s1, s0  }
0xc2: {  	s0 =	sadd.s32 $0x8F2B, s0  }
0xc3: {  	[sflag:s0] =	ssyncadd.remote.s32 $0x1  }
0xc4: {  	_ =	sfence.sel $0xFFFF  }
0xc5: {  	[dreg:$0x0] =	wrdreg $0xFFFFFFFF;
	(pc) =	sbr.abs _section_cstart, $3  }
0xc6: {  	[dreg:$0x1] =	wrdreg $0xFFFFFFFF  }
0xc7: {  	_ =	task.clear_ibuf [dreg:s7], $0x2FFFF;
	_ =	strace $0x9FFFFFFF  }
0xc8: {  	(tm) =	ssettm $0x7FFFFFFF  }
0xc9: {  	_ =	shalt  }
tec
execute0_lowered:
.L_overlay_start_1:
0x0: {  	(tag) =	ssettag $0x1  }
0x1: {  	s4 =	rddreg [dreg:$0x0]  }
0x2: {  	s5 =	rddreg [dreg:$0x1]  }
0x3: {  	s0 =	rddreg [dreg:$0x2];
	s2 =	simm.s32 $0x0;
	s1 =	stileid.u32  }
0x4: {  	s6 =	srdreg.scid;
	[smem:$0x7FF] =	sst s2;
	s3 =	sadd.s32 $0x4E00, s4  }
0x5: {  	s7 =	smul.u32 $0x28000, s1;
	s6 =	sand.u32 $0x1, s6;
	s9 =	sshll.u32 s1, $0xE  }
0x6: {  	_ =	strace $0x8000004A;
	s8 =	ssub.s32 $0x2, s6;
	s10 =	sshll.u32 s6, $0xD  }
0x7: {  	s6 =	smul.u32 $0x14000, s6;
	s11 =	sshrl.u32 s8, $0x1;
	s9 =	sor.u32 s10, s9  }
0x8: {  	s7 =	sadd.s32 s7, s4;
	s10 =	simm.s32 $0x1;
	s8 =	ssub.s32 s8, s11  }
0x9: {  	s31 =	sshrl.u32 s9, $0x3;
	s6 =	sadd.s32 s6, s7;
	s7 =	simm.s32 $0x2  }
0xa: {  	s9 =	simm.s32 $0x2000;
	s11 =	simm.s32 $0x0;
	s4 =	sadd.s32 s5, s31  }
0xb: {  	s5 =	smax.u32 s8, $0x1;
	s6 =	sadd.s32 $0x54E00, s6;
	s8 =	simm.s32 $0x80  }
.LBB2_1:
0xc: {  	[tilespmem:s2], [sflag:$0x2] =	stream.linear.gather [hbm4b:s4+s2], $0x2000, $0x38;
	[tilespmem:$0x4800] =	vst v63  }
0xd: {  	_ =	swait.ge [sflag:s7], $0x2000  }
0xe: {  	[sflag:s7] =	ssyncset.done $0x0  }
0xf: {  	s12 =	simm.s32 $0x0;
	[sflag:s7] =	ssyncadd.s32 $0xFFFFE000  }
0x10: {  	[tilespmem:s9], [sflag:$0x1] =	stream.indirect.gather [hbm4b:s3+s8], $0x50, s12, s8, $0xb8;
	[tilespmem:$0x4800] =	vst v63  }
0x11: {  	_ =	swait.ge [sflag:s10], $0x2800  }
0x12: {  	[sflag:s10] =	ssyncset.done $0x0  }
0x13: {  	[sflag:s10] =	ssyncadd.s32 $0xFFFFD800  }
0x14: {  	[hbm4b:s6+s2] =	stream.linear.scatter [tilespmem:s9], [sflag:$0x2], $0x2800, $0x38;
	[tilespmem:$0x4800] =	vst v63  }
0x15: {  	s13 =	simm.s32 $0x200;
	_ =	swait.ge [sflag:s7], $0x2800  }
0x16: {  	s14 =	simm.s32 $0x400;
	s12 =	sadd.s32 $0x500, s6;
	[sflag:s7] =	ssyncset.done $0x0  }
.LBB2_2:
0x17: {  	s15 =	sshra.s32 s13, $0x2  }
0x18: {  	[sflag:s7] =	ssyncadd.s32 $0xFFFFD800;
	s13 =	smov.u32 s14;
	s16 =	sadd.s32 $0x200, s14  }
0x19: {  	[tilespmem:s9], [sflag:$0x1] =	stream.indirect.gather [hbm4b:s3+s8], $0x50, s15, s8, $0xb8;
	[tilespmem:$0x4800] =	vst v63  }
0x1a: {  	p0 =	sne.s32 s14, $0x7E00;
	_ =	swait.ge [sflag:s10], $0x2800  }
.Ltmp0:
0x1b: {  	[sflag:s10] =	ssyncset.done $0x0;
	(pc) =	sbr.rel @p0 .LBB2_2-.Ltmp0, $4  }
0x1c: {  	[sflag:s10] =	ssyncadd.s32 $0xFFFFD800  }
0x1d: {  	[hbm4b:s12+s2] =	stream.linear.scatter [tilespmem:s9], [sflag:$0x2], $0x2800, $0x38;
	[tilespmem:$0x4800] =	vst v63  }
0x1e: {  	_ =	swait.ge [sflag:s7], $0x2800  }
0x1f: {  	s14 =	smov.u32 s16;
	s12 =	sadd.s32 $0x500, s12;
	[sflag:s7] =	ssyncset.done $0x0  }
0x20: {  	s13 =	sshra.s32 s13, $0x2;
	[sflag:s7] =	ssyncadd.s32 $0xFFFFD800  }
0x21: {  	[tilespmem:s9], [sflag:$0x1] =	stream.indirect.gather [hbm4b:s3+s8], $0x50, s13, s8, $0xb8;
	[tilespmem:$0x4800] =	vst v63  }
0x22: {  	s11 =	sadd.s32 $0x1, s11;
	_ =	swait.ge [sflag:s10], $0x2800  }
0x23: {  	p0 =	sne.s32 s11, s5;
	[sflag:s10] =	ssyncset.done $0x0  }
.Ltmp1:
0x24: {  	[sflag:s10] =	ssyncadd.s32 $0xFFFFD800;
	(pc) =	sbr.rel @p0 .LBB2_1-.Ltmp1, $4  }
0x25: {  	[hbm4b:s12+s2] =	stream.linear.scatter [tilespmem:s9], [sflag:$0x2], $0x2800, $0x38;
	[tilespmem:$0x4800] =	vst v63  }
0x26: {  	_ =	swait.ge [sflag:s7], $0x2800  }
0x27: {  	[sflag:s7] =	ssyncset.done $0x0  }
0x28: {  	[sflag:s7] =	ssyncadd.s32 $0xFFFFD800  }
0x29: {  	_ =	sfence.sel $0x180000  }
0x2a: {  	[bflag:$0x0] =	sbarrier.arrive $0xFFFF  }
0x2b: {  	p0 =	sne.s32 s1, $0x0;
	_ =	strace $0x9000004A  }
0x2c: {  	s0 =	sadd.s32 @!p0 $0x100000, s0;
	[bflag:$0x2] =	sbarrier.arrive $0xFFFF  }
0x2d: {  	[sflag:s0] =	ssyncadd.tile.s32 @!p0 $0x1;
	_ =	shalt  }
.Lfunc_end2:
_tile_overlayer_lowered:
.L_overlay_start_2:
0x2e: {  	(tag) =	ssettag $0x2  }
0x2f: {  	s0 =	rddreg [dreg:$0x0];
	s2 =	stileid.u32  }
0x30: {  	s1 =	rddreg [dreg:$0x1];
	p0 =	sne.s32 s2, $0x0  }
0x31: {  	s3 =	rddreg [dreg:$0x2];
	[bflag:$0x3] =	sbarrier.arrive $0xFFFF;
	s2 =	simm.s32 @!p0 $0x1C02  }
0x32: {  	[timem:s3], [sflag:s2] =	dma.local @!p0 [hbm:s0], s1  }
0x33: {  	s0 =	simm.s32 @!p0 $0x2  }
0x34: {  	_ =	swait.ge @!p0 [sflag:s0], s1  }
0x35: {  	s1 =	ssub.s32 @!p0 $0x0, s1;
	[sflag:s0] =	ssyncset.done @!p0 $0x0  }
0x36: {  	[sflag:s0] =	ssyncadd.s32 @!p0 s1  }
0x37: {  	[bflag:$0x3] =	sbarrier.arrive $0xFFFF  }
0x38: {  	_ =	shalt  }

</sc_bundles>
